<compile_context>
chip_gen: v7x
topology: tpu7x:2x2x1
jax: 0.10.2.dev20260603
libtpu: 0.0.44.dev20260713+nightly
codegen_flags: <defaults>
</compile_context>

<pallas_src>
import functools

import jax
import jax.numpy as jnp
import numpy as np
from jax import lax
from jax.experimental import pallas as pl
from jax.experimental.pallas import tpu as pltpu
from jax.experimental.pallas import tpu_sc as plsc

N = 10000
E = 160000
C = 16
H = 16
P = 8
EP = E // P
NC, NS = 2, 16
NW = NC * NS
EPW = E // NW
NPT = 640
RPT = N // NS
ONES_PAD = ((EPW + 15) // 16) * 16


@functools.cache
def _mesh():
  return plsc.VectorSubcoreMesh(
      core_axis_name="c", subcore_axis_name="s", num_cores=NC, num_subcores=NS)


def _sc_gather_count(ei_hbm, nf_hbm, xdst_hbm, cnt_hbm,
                     idx_v, rows_v, ones_v, zbuf_v, cnt_sh, sem):
  cid = lax.axis_index("c")
  sid = lax.axis_index("s")
  wid = sid * NC + cid
  base = wid * EPW
  pltpu.sync_copy(ei_hbm.at[0, pl.ds(base, EPW)], idx_v)
  pltpu.async_copy(nf_hbm.at[idx_v], rows_v, sem).wait()
  pltpu.sync_copy(rows_v, xdst_hbm.at[wid])

  def zfill(i, carry):
    zbuf_v[pl.ds(i * 16, 16)] = jnp.zeros((16,), jnp.float32)
    return carry
  lax.fori_loop(0, NPT // 16, zfill, 0)
  pltpu.sync_copy(zbuf_v, cnt_sh.at[pl.ds(sid * NPT, NPT)])

  def ofill(i, carry):
    ones_v[pl.ds(i * 16, 16)] = jnp.ones((16,), jnp.float32)
    return carry
  lax.fori_loop(0, ONES_PAD // 16, ofill, 0)
  plsc.subcore_barrier()

  pltpu.sync_copy(ei_hbm.at[1, pl.ds(base, EPW)], idx_v)
  pltpu.sync_copy(ones_v.at[pl.ds(0, EPW)], cnt_sh.at[idx_v], add=True)
  plsc.subcore_barrier()
  pltpu.sync_copy(cnt_sh.at[pl.ds(sid * NPT, NPT)],
                  cnt_hbm.at[cid, pl.ds(sid * NPT, NPT)])


@functools.cache
def _k1():
  return pl.kernel(
      _sc_gather_count,
      out_type=[jax.ShapeDtypeStruct((NW, EPW, C), jnp.float32),
                jax.ShapeDtypeStruct((NC, NS * NPT), jnp.float32)],
      mesh=_mesh(),
      scratch_types=[pltpu.VMEM((EPW,), jnp.int32),
                     pltpu.VMEM((EPW, C), jnp.float32),
                     pltpu.VMEM((ONES_PAD,), jnp.float32),
                     pltpu.VMEM((NPT,), jnp.float32),
                     pltpu.VMEM_SHARED((NS * NPT,), jnp.float32),
                     pltpu.SemaphoreType.DMA],
      compiler_params=pltpu.CompilerParams(use_tc_tiling_on_sc=False),
  )


def _sc_scatter(tp_hbm, ei_hbm, seg_hbm, idx_v, rows_v, zrows_v, acc_sh):
  cid = lax.axis_index("c")
  sid = lax.axis_index("s")
  wid = sid * NC + cid

  def zfill(i, carry):
    zrows_v[i, :] = jnp.zeros((16,), jnp.float32)
    return carry
  lax.fori_loop(0, RPT, zfill, 0)
  pltpu.sync_copy(zrows_v, acc_sh.at[pl.ds(sid * RPT, RPT)])
  plsc.subcore_barrier()

  pltpu.sync_copy(ei_hbm.at[1, pl.ds(wid * EPW, EPW)], idx_v)
  pltpu.sync_copy(tp_hbm.at[wid], rows_v)
  pltpu.sync_copy(rows_v, acc_sh.at[idx_v], add=True)
  plsc.subcore_barrier()
  pltpu.sync_copy(acc_sh.at[pl.ds(sid * RPT, RPT)], seg_hbm.at[cid, sid])


@functools.cache
def _k3():
  return pl.kernel(
      _sc_scatter,
      out_type=[jax.ShapeDtypeStruct((NC, NS, RPT, C), jnp.float32)],
      mesh=_mesh(),
      scratch_types=[pltpu.VMEM((EPW,), jnp.int32),
                     pltpu.VMEM((EPW, C), jnp.float32),
                     pltpu.VMEM((RPT, C), jnp.float32),
                     pltpu.VMEM_SHARED((N, C), jnp.float32)],
      compiler_params=pltpu.CompilerParams(use_tc_tiling_on_sc=False),
  )


BLK8 = 1000


def _tc_edge(ef_ref, xd_ref, sh_ref, w1_ref, b1_ref, w2_ref, u_ref,
             r_ref, r8_ref, tp_ref):
  f32 = jnp.float32
  bf = jnp.bfloat16
  xb = xd_ref[...].astype(bf)
  hp = jnp.dot(ef_ref[...].astype(bf), w1_ref[...],
               preferred_element_type=f32) + b1_ref[...]
  h = jnp.maximum(hp, 0.0).astype(bf)
  w = jnp.dot(h, w2_ref[...], preferred_element_type=f32)
  xe = jnp.dot(xb, r_ref[...], preferred_element_type=f32)
  z = w * xe
  parts = [z[:, 128 * i:128 * (i + 1)] for i in range(C)]
  while len(parts) > 1:
    parts = [parts[j] + parts[j + 1] for j in range(0, len(parts), 2)]
  tp = parts[0] + jnp.dot(xb, u_ref[...], preferred_element_type=f32)
  tp_ref[...] = tp * (sh_ref[...] @ r8_ref[...])


def _tc_edge_call(ef, xd, sh, w1bd, b1t, w2bd, ubd, rbd, r8):
  grid = EP // BLK8
  full = lambda shape: pl.BlockSpec(shape, lambda i: (0, 0))
  return pl.pallas_call(
      _tc_edge,
      grid=(grid,),
      in_specs=[
          pl.BlockSpec((BLK8, P * H), lambda i: (i, 0)),
          pl.BlockSpec((BLK8, P * C), lambda i: (i, 0)),
          pl.BlockSpec((BLK8, P), lambda i: (i, 0)),
          full((P * H, P * 2 * H)),
          full((1, P * 2 * H)),
          full((P * 2 * H, C * P * C)),
          full((P * C, P * C)),
          full((P * C, C * P * C)),
          full((P, P * C)),
      ],
      out_specs=pl.BlockSpec((BLK8, P * C), lambda i: (i, 0)),
      out_shape=jax.ShapeDtypeStruct((EP, P * C), jnp.float32),
  )(ef, xd, sh, w1bd, b1t, w2bd, ubd, rbd, r8)


NP8 = N // P


def _tc_final(segp_ref, cnt8_ref, nf_ref, wbd_ref, r8_ref, ms_ref,
              bnw_ref, bnb_ref, out_ref):
  seg = segp_ref[0] + segp_ref[1]
  cnt16 = jnp.maximum(cnt8_ref[...] @ r8_ref[...], 1.0)
  pre = seg / cnt16 + nf_ref[...] @ wbd_ref[...]
  m = jnp.mean(pre, axis=0, keepdims=True)
  msq = jnp.mean(pre * pre, axis=0, keepdims=True)
  mu = m @ ms_ref[...]
  var = msq @ ms_ref[...] - mu * mu
  out_ref[...] = (pre - mu) * lax.rsqrt(var + 1e-5) * bnw_ref[...] + bnb_ref[...]


def _tc_final_call(segp, cnt8, nf_p, wbd, r8, ms, bnw_p, bnb_p):
  full = lambda shape: pl.BlockSpec(shape, lambda: tuple(0 for _ in shape))
  return pl.pallas_call(
      _tc_final,
      in_specs=[
          full((NC, NP8, P * C)),
          full((NP8, P)),
          full((NP8, P * C)),
          full((P * C, P * C)),
          full((P, P * C)),
          full((P * C, P * C)),
          full((1, P * C)),
          full((1, P * C)),
      ],
      out_specs=full((NP8, P * C)),
      out_shape=jax.ShapeDtypeStruct((NP8, P * C), jnp.float32),
  )(segp, cnt8, nf_p, wbd, r8, ms, bnw_p, bnb_p)


def _np_consts():
  eye8 = np.eye(P, dtype=np.float32)
  eye16 = np.eye(C, dtype=np.float32)
  ones16 = np.ones((C,), dtype=np.float32)
  rbd = np.einsum('st,ij,k->sijtk', eye8, eye16,
                  ones16).reshape(P * C, C * P * C) * 0.25
  r8 = np.einsum('st,k->stk', eye8, ones16).reshape(P, P * C)
  x1 = np.einsum('jk,t->jtk', np.eye(2 * H, dtype=np.float32),
                 np.ones((P,), np.float32)).reshape(2 * H, P * 2 * H)
  x2 = np.zeros((C * C, C * P * C), np.float32)
  for i in range(C):
    for k in range(C):
      for t in range(P):
        x2[C * i + k, 128 * i + 16 * t + k] = 1.0
  mask1 = np.kron(eye8, np.ones((H, 2 * H), np.float32))
  mask2 = np.zeros((P * 2 * H, C * P * C), np.float32)
  for s in range(P):
    for i in range(C):
      mask2[32 * s:32 * (s + 1), 128 * i + 16 * s:128 * i + 16 * s + 16] = 1.0
  maskd8 = np.kron(eye8, np.ones((C, C), np.float32))
  a1 = np.tile(eye16, (P, 1))
  a2 = np.tile(eye16, (1, P))
  ms = np.zeros((P * C, P * C), np.float32)
  for sp in range(P):
    for s in range(P):
      for k in range(C):
        ms[16 * sp + k, 16 * s + k] = 1.0 / P
  f = jnp.asarray
  return (f(rbd), f(r8), f(x1), f(x2), f(mask1), f(mask2),
          f(maskd8), f(a1), f(a2), f(ms))


def kernel(node_features, edge_features, edge_sh, edge_index,
           W1, b1, W2, b2, W_byp, bn_w, bn_b):
  ei = edge_index.astype(jnp.int32)
  bf = jnp.bfloat16
  (rbd, r8, x1, x2, mask1, mask2, maskd8, a1, a2, ms) = _np_consts()
  w1bd = (jnp.tile(W1 @ x1, (P, 1)) * mask1).astype(bf)
  b1t = jnp.tile(b1, P).reshape(1, P * 2 * H)
  w2bd = (jnp.tile(W2 @ x2, (P, 1)) * mask2).astype(bf)
  ubd = ((a1 @ b2.reshape(C, C) @ a2) * maskd8 * 0.25).astype(bf)
  rbd = rbd.astype(bf)
  wbd = (a1 @ W_byp @ a2) * maskd8 * 0.25
  bnw_p = jnp.tile(bn_w, P).reshape(1, P * C)
  bnb_p = jnp.tile(bn_b, P).reshape(1, P * C)

  ef_p = edge_features.reshape(EP, P * H)
  sh_p = edge_sh.reshape(EP, P)
  xdst, cntp = _k1()(ei, node_features)
  xd_p = xdst.reshape(EP, P * C)
  tp_p = _tc_edge_call(ef_p, xd_p, sh_p, w1bd, b1t, w2bd, ubd, rbd, r8)
  (segp,) = _k3()(tp_p.reshape(NW, EPW, C), ei)
  cnt8 = (cntp[0] + cntp[1])[:N].reshape(NP8, P)
  nf_p = node_features.reshape(NP8, P * C)
  out_p = _tc_final_call(segp.reshape(NC, NP8, P * C), cnt8, nf_p, wbd, r8,
                         ms, bnw_p, bnb_p)
  return out_p.reshape(N, C)

# --- scband reference (transcript-rebuilt; emitter-appended) ---
"""Pipeline reference for scband-embed-node-31963146617220 (READ-ONLY COPY).

The authoritative reference and input builder live on the scoring server;
editing this copy changes nothing except your own understanding.
"""

import jax, jax.numpy as jnp
import numpy as np

N_NODES = 10000
N_EDGES = 160000
C = 16      # multiplicity of 16x0e irreps (in and out)
H_EDGE = 16
W_NUMEL = C * 1 * C  # FullyConnectedTensorProduct weight_numel for 16x0e x 1x0e -> 16x0e


def setup_inputs(seed: int = 0) -> dict:
    key = jax.random.key(seed)
    ks = jax.random.split(key, 10)
    node_features = jax.random.normal(ks[0], (N_NODES, C), dtype=jnp.float32)
    edge_features = jax.random.normal(ks[1], (N_EDGES, H_EDGE), dtype=jnp.float32)
    # sh_irreps = 1x0e: Y_0 is constant (normalized to 1)
    edge_sh = jnp.ones((N_EDGES, 1), dtype=jnp.float32)
    edge_index = jax.random.randint(ks[2], (2, N_EDGES), 0, N_NODES, dtype=jnp.int64)
    # fc: Linear(h_edge, 2*h_edge) -> ReLU -> Linear(2*h_edge, weight_numel)
    W1 = jax.random.normal(ks[3], (H_EDGE, 2 * H_EDGE), dtype=jnp.float32) / np.sqrt(H_EDGE)
    b1 = jnp.zeros((2 * H_EDGE,), dtype=jnp.float32)
    W2 = jax.random.normal(ks[4], (2 * H_EDGE, W_NUMEL), dtype=jnp.float32) / np.sqrt(2 * H_EDGE)
    b2 = jnp.zeros((W_NUMEL,), dtype=jnp.float32)
    # o3.Linear bypass (no bias; e3nn path-normalized by 1/sqrt(fan_in) in forward)
    W_byp = jax.random.normal(ks[5], (C, C), dtype=jnp.float32)
    # e3nn BatchNorm affine params for 16 scalar channels
    bn_w = jnp.ones((C,), dtype=jnp.float32)
    bn_b = jnp.zeros((C,), dtype=jnp.float32)
    return {
        "node_features": node_features,
        "edge_features": edge_features,
        "edge_sh": edge_sh,
        "edge_index": edge_index,
        "W1": W1, "b1": b1, "W2": W2, "b2": b2,
        "W_byp": W_byp, "bn_w": bn_w, "bn_b": bn_b,
    }


def reference(node_features, edge_features, edge_sh, edge_index,
              W1, b1, W2, b2, W_byp, bn_w, bn_b):
    edge_dst = edge_index[0]
    edge_src = edge_index[1]
    # fc -> per-edge tensor-product weights
    h = jax.nn.relu(edge_features @ W1 + b1)
    w = (h @ W2 + b2).reshape(-1, C, C)  # [E, in_mult, out_mult] (sh mult = 1)
    # gather destination node features
    x_dst = jnp.take(node_features, edge_dst, axis=0)  # [E, C]
    # FullyConnectedTensorProduct for scalar irreps, path-normalized by 1/sqrt(fan_in)
    tp = jnp.einsum('ei,eik->ek', x_dst, w) * edge_sh / jnp.sqrt(float(C))
    # scatter_mean over edge_src, dim_size = N_NODES
    seg_sum = jax.ops.segment_sum(tp, edge_src, num_segments=N_NODES)
    cnt = jax.ops.segment_sum(jnp.ones((tp.shape[0],), dtype=tp.dtype), edge_src, num_segments=N_NODES)
    agg = seg_sum / jnp.clip(cnt, 1.0, None)[:, None]
    # bypass o3.Linear (scalars -> plain matmul, normalized by 1/sqrt(fan_in))
    out = agg + node_features @ W_byp / jnp.sqrt(float(C))
    # BatchNorm over nodes for scalar irreps (training-mode batch stats)
    mu = jnp.mean(out, axis=0)
    var = jnp.var(out, axis=0)
    out = (out - mu) / jnp.sqrt(var + 1e-5) * bn_w + bn_b
    return out

if __name__ == "__main__":
    import jax
    _d = setup_inputs()
    print(jax.jit(kernel)(*tuple(_d.values())))

</pallas_src>

<mosaic_0001>
#map = affine_map<(d0, d1) -> (0, 0)>
#map1 = affine_map<(d0, d1) -> (0, 0, 0)>
module attributes {stable_mosaic.version = 14 : i64} {
  func.func @_sc_gather_count(%arg0: i32, %arg1: i32, %arg2: memref<2x160000xi32, #tpu.memory_space<hbm>>, %arg3: memref<10000x16xf32, #tpu.memory_space<hbm>>, %arg4: memref<32x5000x16xf32, #tpu.memory_space<hbm>>, %arg5: memref<2x10240xf32, #tpu.memory_space<hbm>>, %arg6: memref<5000xi32, #tpu.memory_space<vmem>>, %arg7: memref<5000x16xf32, #tpu.memory_space<vmem>>, %arg8: memref<5008xf32, #tpu.memory_space<vmem>>, %arg9: memref<640xf32, #tpu.memory_space<vmem>>, %arg10: memref<10240xf32, #tpu.memory_space<vmem_shared>>, %arg11: memref<!tpu.dma_semaphore, #tpu.memory_space<semaphore_mem>>) attributes {dimension_semantics = [#tpu.dimension_semantics<core_parallel>, #tpu.dimension_semantics<subcore_parallel>], iteration_bounds = array<i64: 2, 16>, scalar_prefetch = 0 : i64, scratch_operands = 6 : i64, tpu.core_type = #tpu.core_type<sc_vector_subcore>, window_params = [{transform_indices = #map}, {transform_indices = #map}, {transform_indices = #map1}, {transform_indices = #map}]} {
    %mul3A = arith.constant 2 : i32
    %mul3A_0 = arith.muli %arg1, %mul3A : i32
    %add3A = arith.addi %mul3A_0, %arg0 : i32
    %mul3A_1 = arith.constant 5000 : i32
    %mul3A_2 = arith.muli %add3A, %mul3A_1 : i32
    %run_scoped3A = arith.constant 0 : i32
    "tpu.region"() ({
      %run_scoped3A_26 = tpu.sem_alloc : memref<!tpu.dma_semaphore, #tpu.memory_space<semaphore_mem>>
      %dma_start3A_27 = tpu.memref_slice %arg2[%run_scoped3A, %mul3A_2] : memref<2x160000xi32, #tpu.memory_space<hbm>> -> memref<1x5000xi32, #tpu.memory_space<hbm>>
      %dma_start3A_28 = tpu.memref_squeeze %dma_start3A_27 : memref<1x5000xi32, #tpu.memory_space<hbm>> -> memref<5000xi32, #tpu.memory_space<hbm>>
      %dma_start3A_29 = tpu.memref_slice %arg2[%run_scoped3A, %mul3A_2] : memref<2x160000xi32, #tpu.memory_space<hbm>> -> memref<1x5000xi32, #tpu.memory_space<hbm>>
      %dma_start3A_30 = tpu.memref_squeeze %dma_start3A_29 : memref<1x5000xi32, #tpu.memory_space<hbm>> -> memref<5000xi32, #tpu.memory_space<hbm>>
      tpu.enqueue_dma source(%dma_start3A_30 : memref<5000xi32, #tpu.memory_space<hbm>>) target(%arg6 : memref<5000xi32, #tpu.memory_space<vmem>>) target_semaphore(%run_scoped3A_26 : memref<!tpu.dma_semaphore, #tpu.memory_space<semaphore_mem>>)
      %dma_wait3A_31 = tpu.memref_slice %arg2[%run_scoped3A, %mul3A_2] : memref<2x160000xi32, #tpu.memory_space<hbm>> -> memref<1x5000xi32, #tpu.memory_space<hbm>>
      %dma_wait3A_32 = tpu.memref_squeeze %dma_wait3A_31 : memref<1x5000xi32, #tpu.memory_space<hbm>> -> memref<5000xi32, #tpu.memory_space<hbm>>
      %dma_wait3A_33 = tpu.memref_slice %arg2[%run_scoped3A, %mul3A_2] : memref<2x160000xi32, #tpu.memory_space<hbm>> -> memref<1x5000xi32, #tpu.memory_space<hbm>>
      %dma_wait3A_34 = tpu.memref_squeeze %dma_wait3A_33 : memref<1x5000xi32, #tpu.memory_space<hbm>> -> memref<5000xi32, #tpu.memory_space<hbm>>
      tpu.wait_dma2 semaphore(%run_scoped3A_26 : memref<!tpu.dma_semaphore, #tpu.memory_space<semaphore_mem>>) src(%dma_wait3A_34 : memref<5000xi32, #tpu.memory_space<hbm>>) dst(%arg6 : memref<5000xi32, #tpu.memory_space<vmem>>)
      tpu.yield
    }) : () -> ()
    %dma_start3A = arith.constant 0 : i32
    %dma_start3A_3 = arith.constant 0 : i32
    %dma_start3A_4 = tpu.memref_slice %arg3[%dma_start3A, %dma_start3A_3] : memref<10000x16xf32, #tpu.memory_space<hbm>> -> memref<10000x16xf32, #tpu.memory_space<hbm>>
    tpu.enqueue_indirect_dma source(%dma_start3A_4 : memref<10000x16xf32, #tpu.memory_space<hbm>>) target(%arg7 : memref<5000x16xf32, #tpu.memory_space<vmem>>) offsets(%arg6 : memref<5000xi32, #tpu.memory_space<vmem>>) semaphore(%arg11 : memref<!tpu.dma_semaphore, #tpu.memory_space<semaphore_mem>>)
    %dma_wait3A = arith.constant 0 : i32
    %dma_wait3A_5 = arith.constant 0 : i32
    %dma_wait3A_6 = tpu.memref_slice %arg3[%dma_wait3A, %dma_wait3A_5] : memref<10000x16xf32, #tpu.memory_space<hbm>> -> memref<10000x16xf32, #tpu.memory_space<hbm>>
    tpu.wait_indirect_dma semaphore(%arg11 : memref<!tpu.dma_semaphore, #tpu.memory_space<semaphore_mem>>) src(%dma_wait3A_6 : memref<10000x16xf32, #tpu.memory_space<hbm>>) dst(%arg7 : memref<5000x16xf32, #tpu.memory_space<vmem>>)
    "tpu.region"() ({
      %run_scoped3A_26 = tpu.sem_alloc : memref<!tpu.dma_semaphore, #tpu.memory_space<semaphore_mem>>
      %dma_start3A_27 = arith.constant 0 : i32
      %dma_start3A_28 = arith.constant 0 : i32
      %dma_start3A_29 = tpu.memref_slice %arg4[%add3A, %dma_start3A_27, %dma_start3A_28] : memref<32x5000x16xf32, #tpu.memory_space<hbm>> -> memref<1x5000x16xf32, #tpu.memory_space<hbm>>
      %dma_start3A_30 = tpu.memref_squeeze %dma_start3A_29 : memref<1x5000x16xf32, #tpu.memory_space<hbm>> -> memref<5000x16xf32, #tpu.memory_space<hbm>>
      %dma_start3A_31 = arith.constant 0 : i32
      %dma_start3A_32 = arith.constant 0 : i32
      %dma_start3A_33 = tpu.memref_slice %arg4[%add3A, %dma_start3A_31, %dma_start3A_32] : memref<32x5000x16xf32, #tpu.memory_space<hbm>> -> memref<1x5000x16xf32, #tpu.memory_space<hbm>>
      %dma_start3A_34 = tpu.memref_squeeze %dma_start3A_33 : memref<1x5000x16xf32, #tpu.memory_space<hbm>> -> memref<5000x16xf32, #tpu.memory_space<hbm>>
      tpu.enqueue_dma source(%arg7 : memref<5000x16xf32, #tpu.memory_space<vmem>>) target(%dma_start3A_34 : memref<5000x16xf32, #tpu.memory_space<hbm>>) target_semaphore(%run_scoped3A_26 : memref<!tpu.dma_semaphore, #tpu.memory_space<semaphore_mem>>)
      %dma_wait3A_35 = arith.constant 0 : i32
      %dma_wait3A_36 = arith.constant 0 : i32
      %dma_wait3A_37 = tpu.memref_slice %arg4[%add3A, %dma_wait3A_35, %dma_wait3A_36] : memref<32x5000x16xf32, #tpu.memory_space<hbm>> -> memref<1x5000x16xf32, #tpu.memory_space<hbm>>
      %dma_wait3A_38 = tpu.memref_squeeze %dma_wait3A_37 : memref<1x5000x16xf32, #tpu.memory_space<hbm>> -> memref<5000x16xf32, #tpu.memory_space<hbm>>
      %dma_wait3A_39 = arith.constant 0 : i32
      %dma_wait3A_40 = arith.constant 0 : i32
      %dma_wait3A_41 = tpu.memref_slice %arg4[%add3A, %dma_wait3A_39, %dma_wait3A_40] : memref<32x5000x16xf32, #tpu.memory_space<hbm>> -> memref<1x5000x16xf32, #tpu.memory_space<hbm>>
      %dma_wait3A_42 = tpu.memref_squeeze %dma_wait3A_41 : memref<1x5000x16xf32, #tpu.memory_space<hbm>> -> memref<5000x16xf32, #tpu.memory_space<hbm>>
      tpu.wait_dma2 semaphore(%run_scoped3A_26 : memref<!tpu.dma_semaphore, #tpu.memory_space<semaphore_mem>>) src(%arg7 : memref<5000x16xf32, #tpu.memory_space<vmem>>) dst(%dma_wait3A_42 : memref<5000x16xf32, #tpu.memory_space<hbm>>)
      tpu.yield
    }) : () -> ()
    %scan3A = arith.constant 0 : i32
    %scan3A_7 = arith.constant 0 : i32
    %scan3A_8 = arith.constant 40 : i32
    %scan3A_9 = arith.addi %scan3A_7, %scan3A_8 : i32
    %scan3A_10 = arith.constant 1 : i32
    scf.for %scan3A_26 = %scan3A_7 to %scan3A_9 step %scan3A_10  : i32 {
      %broadcast_in_dim3A = arith.constant 0.000000e+00 : f32
      %broadcast_in_dim3A_27 = vector.broadcast %broadcast_in_dim3A : f32 to vector<16xf32>
      %mul3A_28 = arith.constant 16 : i32
      %mul3A_29 = arith.muli %scan3A_26, %mul3A_28 : i32
      %swap3A = arith.index_cast %mul3A_29 : i32 to index
      %swap3A_30 = tpu.vector_load %arg9[%swap3A] {strides = array<i32>} : memref<640xf32, #tpu.memory_space<vmem>>, vector<16xf32>,
      %swap3A_31 = vector.shape_cast %swap3A_30 : vector<16xf32> to vector<16xf32>
      %swap3A_32 = vector.shape_cast %broadcast_in_dim3A_27 : vector<16xf32> to vector<16xf32>
      tpu.vector_store %arg9[%swap3A], %swap3A_32 {strides = array<i32>} : memref<640xf32, #tpu.memory_space<vmem>>, vector<16xf32>,
    }
    %scan3A_11 = arith.constant 40 : i32
    %mul3A_12 = arith.constant 640 : i32
    %mul3A_13 = arith.muli %arg1, %mul3A_12 : i32
    "tpu.region"() ({
      %run_scoped3A_26 = tpu.sem_alloc : memref<!tpu.dma_semaphore, #tpu.memory_space<semaphore_mem>>
      %dma_start3A_27 = tpu.memref_slice %arg10[%mul3A_13] : memref<10240xf32, #tpu.memory_space<vmem_shared>> -> memref<640xf32, #tpu.memory_space<vmem_shared>>
      %dma_start3A_28 = tpu.memref_slice %arg10[%mul3A_13] : memref<10240xf32, #tpu.memory_space<vmem_shared>> -> memref<640xf32, #tpu.memory_space<vmem_shared>>
      tpu.enqueue_dma source(%arg9 : memref<640xf32, #tpu.memory_space<vmem>>) target(%dma_start3A_28 : memref<640xf32, #tpu.memory_space<vmem_shared>>) target_semaphore(%run_scoped3A_26 : memref<!tpu.dma_semaphore, #tpu.memory_space<semaphore_mem>>)
      %dma_wait3A_29 = tpu.memref_slice %arg10[%mul3A_13] : memref<10240xf32, #tpu.memory_space<vmem_shared>> -> memref<640xf32, #tpu.memory_space<vmem_shared>>
      %dma_wait3A_30 = tpu.memref_slice %arg10[%mul3A_13] : memref<10240xf32, #tpu.memory_space<vmem_shared>> -> memref<640xf32, #tpu.memory_space<vmem_shared>>
      tpu.wait_dma2 semaphore(%run_scoped3A_26 : memref<!tpu.dma_semaphore, #tpu.memory_space<semaphore_mem>>) src(%arg9 : memref<640xf32, #tpu.memory_space<vmem>>) dst(%dma_wait3A_30 : memref<640xf32, #tpu.memory_space<vmem_shared>>)
      tpu.yield
    }) : () -> ()
    %scan3A_14 = arith.constant 0 : i32
    %scan3A_15 = arith.constant 0 : i32
    %scan3A_16 = arith.constant 313 : i32
    %scan3A_17 = arith.addi %scan3A_15, %scan3A_16 : i32
    %scan3A_18 = arith.constant 1 : i32
    scf.for %scan3A_26 = %scan3A_15 to %scan3A_17 step %scan3A_18  : i32 {
      %broadcast_in_dim3A = arith.constant 1.000000e+00 : f32
      %broadcast_in_dim3A_27 = vector.broadcast %broadcast_in_dim3A : f32 to vector<16xf32>
      %mul3A_28 = arith.constant 16 : i32
      %mul3A_29 = arith.muli %scan3A_26, %mul3A_28 : i32
      %swap3A = arith.index_cast %mul3A_29 : i32 to index
      %swap3A_30 = tpu.vector_load %arg8[%swap3A] {strides = array<i32>} : memref<5008xf32, #tpu.memory_space<vmem>>, vector<16xf32>,
      %swap3A_31 = vector.shape_cast %swap3A_30 : vector<16xf32> to vector<16xf32>
      %swap3A_32 = vector.shape_cast %broadcast_in_dim3A_27 : vector<16xf32> to vector<16xf32>
      tpu.vector_store %arg8[%swap3A], %swap3A_32 {strides = array<i32>} : memref<5008xf32, #tpu.memory_space<vmem>>, vector<16xf32>,
    }
    %scan3A_19 = arith.constant 313 : i32
    %barrier3A = arith.constant 0 : index
    tpu.barrier barrier_id(%barrier3A)
    %run_scoped3A_20 = arith.constant 1 : i32
    "tpu.region"() ({
      %run_scoped3A_26 = tpu.sem_alloc : memref<!tpu.dma_semaphore, #tpu.memory_space<semaphore_mem>>
      %dma_start3A_27 = tpu.memref_slice %arg2[%run_scoped3A_20, %mul3A_2] : memref<2x160000xi32, #tpu.memory_space<hbm>> -> memref<1x5000xi32, #tpu.memory_space<hbm>>
      %dma_start3A_28 = tpu.memref_squeeze %dma_start3A_27 : memref<1x5000xi32, #tpu.memory_space<hbm>> -> memref<5000xi32, #tpu.memory_space<hbm>>
      %dma_start3A_29 = tpu.memref_slice %arg2[%run_scoped3A_20, %mul3A_2] : memref<2x160000xi32, #tpu.memory_space<hbm>> -> memref<1x5000xi32, #tpu.memory_space<hbm>>
      %dma_start3A_30 = tpu.memref_squeeze %dma_start3A_29 : memref<1x5000xi32, #tpu.memory_space<hbm>> -> memref<5000xi32, #tpu.memory_space<hbm>>
      tpu.enqueue_dma source(%dma_start3A_30 : memref<5000xi32, #tpu.memory_space<hbm>>) target(%arg6 : memref<5000xi32, #tpu.memory_space<vmem>>) target_semaphore(%run_scoped3A_26 : memref<!tpu.dma_semaphore, #tpu.memory_space<semaphore_mem>>)
      %dma_wait3A_31 = tpu.memref_slice %arg2[%run_scoped3A_20, %mul3A_2] : memref<2x160000xi32, #tpu.memory_space<hbm>> -> memref<1x5000xi32, #tpu.memory_space<hbm>>
      %dma_wait3A_32 = tpu.memref_squeeze %dma_wait3A_31 : memref<1x5000xi32, #tpu.memory_space<hbm>> -> memref<5000xi32, #tpu.memory_space<hbm>>
      %dma_wait3A_33 = tpu.memref_slice %arg2[%run_scoped3A_20, %mul3A_2] : memref<2x160000xi32, #tpu.memory_space<hbm>> -> memref<1x5000xi32, #tpu.memory_space<hbm>>
      %dma_wait3A_34 = tpu.memref_squeeze %dma_wait3A_33 : memref<1x5000xi32, #tpu.memory_space<hbm>> -> memref<5000xi32, #tpu.memory_space<hbm>>
      tpu.wait_dma2 semaphore(%run_scoped3A_26 : memref<!tpu.dma_semaphore, #tpu.memory_space<semaphore_mem>>) src(%dma_wait3A_34 : memref<5000xi32, #tpu.memory_space<hbm>>) dst(%arg6 : memref<5000xi32, #tpu.memory_space<vmem>>)
      tpu.yield
    }) : () -> ()
    "tpu.region"() ({
      %run_scoped3A_26 = tpu.sem_alloc : memref<!tpu.dma_semaphore, #tpu.memory_space<semaphore_mem>>
      %dma_start3A_27 = arith.constant 0 : i32
      %dma_start3A_28 = tpu.memref_slice %arg8[%dma_start3A_27] : memref<5008xf32, #tpu.memory_space<vmem>> -> memref<5000xf32, #tpu.memory_space<vmem>>
      %dma_start3A_29 = arith.constant 0 : i32
      %dma_start3A_30 = tpu.memref_slice %arg10[%dma_start3A_29] : memref<10240xf32, #tpu.memory_space<vmem_shared>> -> memref<10240xf32, #tpu.memory_space<vmem_shared>>
      tpu.enqueue_indirect_dma source(%dma_start3A_28 : memref<5000xf32, #tpu.memory_space<vmem>>) target(%dma_start3A_30 : memref<10240xf32, #tpu.memory_space<vmem_shared>>) offsets(%arg6 : memref<5000xi32, #tpu.memory_space<vmem>>) semaphore(%run_scoped3A_26 : memref<!tpu.dma_semaphore, #tpu.memory_space<semaphore_mem>>) {add = true}
      %dma_wait3A_31 = arith.constant 0 : i32
      %dma_wait3A_32 = tpu.memref_slice %arg8[%dma_wait3A_31] : memref<5008xf32, #tpu.memory_space<vmem>> -> memref<5000xf32, #tpu.memory_space<vmem>>
      %dma_wait3A_33 = arith.constant 0 : i32
      %dma_wait3A_34 = tpu.memref_slice %arg10[%dma_wait3A_33] : memref<10240xf32, #tpu.memory_space<vmem_shared>> -> memref<10240xf32, #tpu.memory_space<vmem_shared>>
      tpu.wait_indirect_dma semaphore(%run_scoped3A_26 : memref<!tpu.dma_semaphore, #tpu.memory_space<semaphore_mem>>) src(%dma_wait3A_32 : memref<5000xf32, #tpu.memory_space<vmem>>) dst(%dma_wait3A_34 : memref<10240xf32, #tpu.memory_space<vmem_shared>>)
      tpu.yield
    }) : () -> ()
    %barrier3A_21 = arith.constant 0 : index
    tpu.barrier barrier_id(%barrier3A_21)
    %mul3A_22 = arith.constant 640 : i32
    %mul3A_23 = arith.muli %arg1, %mul3A_22 : i32
    %mul3A_24 = arith.constant 640 : i32
    %mul3A_25 = arith.muli %arg1, %mul3A_24 : i32
    "tpu.region"() ({
      %run_scoped3A_26 = tpu.sem_alloc : memref<!tpu.dma_semaphore, #tpu.memory_space<semaphore_mem>>
      %dma_start3A_27 = tpu.memref_slice %arg5[%arg0, %mul3A_25] : memref<2x10240xf32, #tpu.memory_space<hbm>> -> memref<1x640xf32, #tpu.memory_space<hbm>>
      %dma_start3A_28 = tpu.memref_squeeze %dma_start3A_27 : memref<1x640xf32, #tpu.memory_space<hbm>> -> memref<640xf32, #tpu.memory_space<hbm>>
      %dma_start3A_29 = tpu.memref_slice %arg10[%mul3A_23] : memref<10240xf32, #tpu.memory_space<vmem_shared>> -> memref<640xf32, #tpu.memory_space<vmem_shared>>
      tpu.enqueue_dma source(%dma_start3A_29 : memref<640xf32, #tpu.memory_space<vmem_shared>>) target(%dma_start3A_28 : memref<640xf32, #tpu.memory_space<hbm>>) target_semaphore(%run_scoped3A_26 : memref<!tpu.dma_semaphore, #tpu.memory_space<semaphore_mem>>)
      %dma_wait3A_30 = tpu.memref_slice %arg5[%arg0, %mul3A_25] : memref<2x10240xf32, #tpu.memory_space<hbm>> -> memref<1x640xf32, #tpu.memory_space<hbm>>
      %dma_wait3A_31 = tpu.memref_squeeze %dma_wait3A_30 : memref<1x640xf32, #tpu.memory_space<hbm>> -> memref<640xf32, #tpu.memory_space<hbm>>
      %dma_wait3A_32 = tpu.memref_slice %arg10[%mul3A_23] : memref<10240xf32, #tpu.memory_space<vmem_shared>> -> memref<640xf32, #tpu.memory_space<vmem_shared>>
      tpu.wait_dma2 semaphore(%run_scoped3A_26 : memref<!tpu.dma_semaphore, #tpu.memory_space<semaphore_mem>>) src(%dma_wait3A_32 : memref<640xf32, #tpu.memory_space<vmem_shared>>) dst(%dma_wait3A_31 : memref<640xf32, #tpu.memory_space<hbm>>)
      tpu.yield
    }) : () -> ()
    return
  }
}

#map = affine_map<(d0, d1) -> (0, 0, 0)>
#map1 = affine_map<(d0, d1) -> (0, 0)>
#map2 = affine_map<(d0, d1) -> (0, 0, 0, 0)>
module attributes {stable_mosaic.version = 14 : i64} {
  func.func @_sc_scatter(%arg0: i32, %arg1: i32, %arg2: memref<32x5000x16xf32, #tpu.memory_space<hbm>>, %arg3: memref<2x160000xi32, #tpu.memory_space<hbm>>, %arg4: memref<2x16x625x16xf32, #tpu.memory_space<hbm>>, %arg5: memref<5000xi32, #tpu.memory_space<vmem>>, %arg6: memref<5000x16xf32, #tpu.memory_space<vmem>>, %arg7: memref<625x16xf32, #tpu.memory_space<vmem>>, %arg8: memref<10000x16xf32, #tpu.memory_space<vmem_shared>>) attributes {dimension_semantics = [#tpu.dimension_semantics<core_parallel>, #tpu.dimension_semantics<subcore_parallel>], iteration_bounds = array<i64: 2, 16>, scalar_prefetch = 0 : i64, scratch_operands = 4 : i64, tpu.core_type = #tpu.core_type<sc_vector_subcore>, window_params = [{transform_indices = #map}, {transform_indices = #map1}, {transform_indices = #map2}]} {
    %mul3A = arith.constant 2 : i32
    %mul3A_0 = arith.muli %arg1, %mul3A : i32
    %add3A = arith.addi %mul3A_0, %arg0 : i32
    %scan3A = arith.constant 0 : i32
    %scan3A_1 = arith.constant 0 : i32
    %scan3A_2 = arith.constant 625 : i32
    %scan3A_3 = arith.addi %scan3A_1, %scan3A_2 : i32
    %scan3A_4 = arith.constant 1 : i32
    scf.for %scan3A_13 = %scan3A_1 to %scan3A_3 step %scan3A_4  : i32 {
      %broadcast_in_dim3A = arith.constant 0.000000e+00 : f32
      %broadcast_in_dim3A_14 = vector.broadcast %broadcast_in_dim3A : f32 to vector<16xf32>
      %swap3A = arith.index_cast %scan3A_13 : i32 to index
      %swap3A_15 = arith.constant 0 : index
      %swap3A_16 = tpu.vector_load %arg7[%swap3A, %swap3A_15] {strides = array<i32>} : memref<625x16xf32, #tpu.memory_space<vmem>>, vector<1x16xf32>,
      %swap3A_17 = vector.shape_cast %swap3A_16 : vector<1x16xf32> to vector<16xf32>
      %swap3A_18 = vector.shape_cast %broadcast_in_dim3A_14 : vector<16xf32> to vector<1x16xf32>
      tpu.vector_store %arg7[%swap3A, %swap3A_15], %swap3A_18 {strides = array<i32>} : memref<625x16xf32, #tpu.memory_space<vmem>>, vector<1x16xf32>,
    }
    %scan3A_5 = arith.constant 625 : i32
    %mul3A_6 = arith.constant 625 : i32
    %mul3A_7 = arith.muli %arg1, %mul3A_6 : i32
    "tpu.region"() ({
      %run_scoped3A_13 = tpu.sem_alloc : memref<!tpu.dma_semaphore, #tpu.memory_space<semaphore_mem>>
      %dma_start3A = arith.constant 0 : i32
      %dma_start3A_14 = tpu.memref_slice %arg8[%mul3A_7, %dma_start3A] : memref<10000x16xf32, #tpu.memory_space<vmem_shared>> -> memref<625x16xf32, #tpu.memory_space<vmem_shared>>
      %dma_start3A_15 = arith.constant 0 : i32
      %dma_start3A_16 = tpu.memref_slice %arg8[%mul3A_7, %dma_start3A_15] : memref<10000x16xf32, #tpu.memory_space<vmem_shared>> -> memref<625x16xf32, #tpu.memory_space<vmem_shared>>
      tpu.enqueue_dma source(%arg7 : memref<625x16xf32, #tpu.memory_space<vmem>>) target(%dma_start3A_16 : memref<625x16xf32, #tpu.memory_space<vmem_shared>>) target_semaphore(%run_scoped3A_13 : memref<!tpu.dma_semaphore, #tpu.memory_space<semaphore_mem>>)
      %dma_wait3A = arith.constant 0 : i32
      %dma_wait3A_17 = tpu.memref_slice %arg8[%mul3A_7, %dma_wait3A] : memref<10000x16xf32, #tpu.memory_space<vmem_shared>> -> memref<625x16xf32, #tpu.memory_space<vmem_shared>>
      %dma_wait3A_18 = arith.constant 0 : i32
      %dma_wait3A_19 = tpu.memref_slice %arg8[%mul3A_7, %dma_wait3A_18] : memref<10000x16xf32, #tpu.memory_space<vmem_shared>> -> memref<625x16xf32, #tpu.memory_space<vmem_shared>>
      tpu.wait_dma2 semaphore(%run_scoped3A_13 : memref<!tpu.dma_semaphore, #tpu.memory_space<semaphore_mem>>) src(%arg7 : memref<625x16xf32, #tpu.memory_space<vmem>>) dst(%dma_wait3A_19 : memref<625x16xf32, #tpu.memory_space<vmem_shared>>)
      tpu.yield
    }) : () -> ()
    %barrier3A = arith.constant 0 : index
    tpu.barrier barrier_id(%barrier3A)
    %mul3A_8 = arith.constant 5000 : i32
    %mul3A_9 = arith.muli %add3A, %mul3A_8 : i32
    %run_scoped3A = arith.constant 1 : i32
    "tpu.region"() ({
      %run_scoped3A_13 = tpu.sem_alloc : memref<!tpu.dma_semaphore, #tpu.memory_space<semaphore_mem>>
      %dma_start3A = tpu.memref_slice %arg3[%run_scoped3A, %mul3A_9] : memref<2x160000xi32, #tpu.memory_space<hbm>> -> memref<1x5000xi32, #tpu.memory_space<hbm>>
      %dma_start3A_14 = tpu.memref_squeeze %dma_start3A : memref<1x5000xi32, #tpu.memory_space<hbm>> -> memref<5000xi32, #tpu.memory_space<hbm>>
      %dma_start3A_15 = tpu.memref_slice %arg3[%run_scoped3A, %mul3A_9] : memref<2x160000xi32, #tpu.memory_space<hbm>> -> memref<1x5000xi32, #tpu.memory_space<hbm>>
      %dma_start3A_16 = tpu.memref_squeeze %dma_start3A_15 : memref<1x5000xi32, #tpu.memory_space<hbm>> -> memref<5000xi32, #tpu.memory_space<hbm>>
      tpu.enqueue_dma source(%dma_start3A_16 : memref<5000xi32, #tpu.memory_space<hbm>>) target(%arg5 : memref<5000xi32, #tpu.memory_space<vmem>>) target_semaphore(%run_scoped3A_13 : memref<!tpu.dma_semaphore, #tpu.memory_space<semaphore_mem>>)
      %dma_wait3A = tpu.memref_slice %arg3[%run_scoped3A, %mul3A_9] : memref<2x160000xi32, #tpu.memory_space<hbm>> -> memref<1x5000xi32, #tpu.memory_space<hbm>>
      %dma_wait3A_17 = tpu.memref_squeeze %dma_wait3A : memref<1x5000xi32, #tpu.memory_space<hbm>> -> memref<5000xi32, #tpu.memory_space<hbm>>
      %dma_wait3A_18 = tpu.memref_slice %arg3[%run_scoped3A, %mul3A_9] : memref<2x160000xi32, #tpu.memory_space<hbm>> -> memref<1x5000xi32, #tpu.memory_space<hbm>>
      %dma_wait3A_19 = tpu.memref_squeeze %dma_wait3A_18 : memref<1x5000xi32, #tpu.memory_space<hbm>> -> memref<5000xi32, #tpu.memory_space<hbm>>
      tpu.wait_dma2 semaphore(%run_scoped3A_13 : memref<!tpu.dma_semaphore, #tpu.memory_space<semaphore_mem>>) src(%dma_wait3A_19 : memref<5000xi32, #tpu.memory_space<hbm>>) dst(%arg5 : memref<5000xi32, #tpu.memory_space<vmem>>)
      tpu.yield
    }) : () -> ()
    "tpu.region"() ({
      %run_scoped3A_13 = tpu.sem_alloc : memref<!tpu.dma_semaphore, #tpu.memory_space<semaphore_mem>>
      %dma_start3A = arith.constant 0 : i32
      %dma_start3A_14 = arith.constant 0 : i32
      %dma_start3A_15 = tpu.memref_slice %arg2[%add3A, %dma_start3A, %dma_start3A_14] : memref<32x5000x16xf32, #tpu.memory_space<hbm>> -> memref<1x5000x16xf32, #tpu.memory_space<hbm>>
      %dma_start3A_16 = tpu.memref_squeeze %dma_start3A_15 : memref<1x5000x16xf32, #tpu.memory_space<hbm>> -> memref<5000x16xf32, #tpu.memory_space<hbm>>
      %dma_start3A_17 = arith.constant 0 : i32
      %dma_start3A_18 = arith.constant 0 : i32
      %dma_start3A_19 = tpu.memref_slice %arg2[%add3A, %dma_start3A_17, %dma_start3A_18] : memref<32x5000x16xf32, #tpu.memory_space<hbm>> -> memref<1x5000x16xf32, #tpu.memory_space<hbm>>
      %dma_start3A_20 = tpu.memref_squeeze %dma_start3A_19 : memref<1x5000x16xf32, #tpu.memory_space<hbm>> -> memref<5000x16xf32, #tpu.memory_space<hbm>>
      tpu.enqueue_dma source(%dma_start3A_20 : memref<5000x16xf32, #tpu.memory_space<hbm>>) target(%arg6 : memref<5000x16xf32, #tpu.memory_space<vmem>>) target_semaphore(%run_scoped3A_13 : memref<!tpu.dma_semaphore, #tpu.memory_space<semaphore_mem>>)
      %dma_wait3A = arith.constant 0 : i32
      %dma_wait3A_21 = arith.constant 0 : i32
      %dma_wait3A_22 = tpu.memref_slice %arg2[%add3A, %dma_wait3A, %dma_wait3A_21] : memref<32x5000x16xf32, #tpu.memory_space<hbm>> -> memref<1x5000x16xf32, #tpu.memory_space<hbm>>
      %dma_wait3A_23 = tpu.memref_squeeze %dma_wait3A_22 : memref<1x5000x16xf32, #tpu.memory_space<hbm>> -> memref<5000x16xf32, #tpu.memory_space<hbm>>
      %dma_wait3A_24 = arith.constant 0 : i32
      %dma_wait3A_25 = arith.constant 0 : i32
      %dma_wait3A_26 = tpu.memref_slice %arg2[%add3A, %dma_wait3A_24, %dma_wait3A_25] : memref<32x5000x16xf32, #tpu.memory_space<hbm>> -> memref<1x5000x16xf32, #tpu.memory_space<hbm>>
      %dma_wait3A_27 = tpu.memref_squeeze %dma_wait3A_26 : memref<1x5000x16xf32, #tpu.memory_space<hbm>> -> memref<5000x16xf32, #tpu.memory_space<hbm>>
      tpu.wait_dma2 semaphore(%run_scoped3A_13 : memref<!tpu.dma_semaphore, #tpu.memory_space<semaphore_mem>>) src(%dma_wait3A_27 : memref<5000x16xf32, #tpu.memory_space<hbm>>) dst(%arg6 : memref<5000x16xf32, #tpu.memory_space<vmem>>)
      tpu.yield
    }) : () -> ()
    "tpu.region"() ({
      %run_scoped3A_13 = tpu.sem_alloc : memref<!tpu.dma_semaphore, #tpu.memory_space<semaphore_mem>>
      %dma_start3A = arith.constant 0 : i32
      %dma_start3A_14 = arith.constant 0 : i32
      %dma_start3A_15 = tpu.memref_slice %arg8[%dma_start3A, %dma_start3A_14] : memref<10000x16xf32, #tpu.memory_space<vmem_shared>> -> memref<10000x16xf32, #tpu.memory_space<vmem_shared>>
      tpu.enqueue_indirect_dma source(%arg6 : memref<5000x16xf32, #tpu.memory_space<vmem>>) target(%dma_start3A_15 : memref<10000x16xf32, #tpu.memory_space<vmem_shared>>) offsets(%arg5 : memref<5000xi32, #tpu.memory_space<vmem>>) semaphore(%run_scoped3A_13 : memref<!tpu.dma_semaphore, #tpu.memory_space<semaphore_mem>>) {add = true}
      %dma_wait3A = arith.constant 0 : i32
      %dma_wait3A_16 = arith.constant 0 : i32
      %dma_wait3A_17 = tpu.memref_slice %arg8[%dma_wait3A, %dma_wait3A_16] : memref<10000x16xf32, #tpu.memory_space<vmem_shared>> -> memref<10000x16xf32, #tpu.memory_space<vmem_shared>>
      tpu.wait_indirect_dma semaphore(%run_scoped3A_13 : memref<!tpu.dma_semaphore, #tpu.memory_space<semaphore_mem>>) src(%arg6 : memref<5000x16xf32, #tpu.memory_space<vmem>>) dst(%dma_wait3A_17 : memref<10000x16xf32, #tpu.memory_space<vmem_shared>>)
      tpu.yield
    }) : () -> ()
    %barrier3A_10 = arith.constant 0 : index
    tpu.barrier barrier_id(%barrier3A_10)
    %mul3A_11 = arith.constant 625 : i32
    %mul3A_12 = arith.muli %arg1, %mul3A_11 : i32
    "tpu.region"() ({
      %run_scoped3A_13 = tpu.sem_alloc : memref<!tpu.dma_semaphore, #tpu.memory_space<semaphore_mem>>
      %dma_start3A = arith.constant 0 : i32
      %dma_start3A_14 = arith.constant 0 : i32
      %dma_start3A_15 = tpu.memref_slice %arg4[%arg0, %arg1, %dma_start3A, %dma_start3A_14] : memref<2x16x625x16xf32, #tpu.memory_space<hbm>> -> memref<1x1x625x16xf32, #tpu.memory_space<hbm>>
      %dma_start3A_16 = tpu.memref_squeeze %dma_start3A_15 : memref<1x1x625x16xf32, #tpu.memory_space<hbm>> -> memref<625x16xf32, #tpu.memory_space<hbm>>
      %dma_start3A_17 = arith.constant 0 : i32
      %dma_start3A_18 = tpu.memref_slice %arg8[%mul3A_12, %dma_start3A_17] : memref<10000x16xf32, #tpu.memory_space<vmem_shared>> -> memref<625x16xf32, #tpu.memory_space<vmem_shared>>
      tpu.enqueue_dma source(%dma_start3A_18 : memref<625x16xf32, #tpu.memory_space<vmem_shared>>) target(%dma_start3A_16 : memref<625x16xf32, #tpu.memory_space<hbm>>) target_semaphore(%run_scoped3A_13 : memref<!tpu.dma_semaphore, #tpu.memory_space<semaphore_mem>>)
      %dma_wait3A = arith.constant 0 : i32
      %dma_wait3A_19 = arith.constant 0 : i32
      %dma_wait3A_20 = tpu.memref_slice %arg4[%arg0, %arg1, %dma_wait3A, %dma_wait3A_19] : memref<2x16x625x16xf32, #tpu.memory_space<hbm>> -> memref<1x1x625x16xf32, #tpu.memory_space<hbm>>
      %dma_wait3A_21 = tpu.memref_squeeze %dma_wait3A_20 : memref<1x1x625x16xf32, #tpu.memory_space<hbm>> -> memref<625x16xf32, #tpu.memory_space<hbm>>
      %dma_wait3A_22 = arith.constant 0 : i32
      %dma_wait3A_23 = tpu.memref_slice %arg8[%mul3A_12, %dma_wait3A_22] : memref<10000x16xf32, #tpu.memory_space<vmem_shared>> -> memref<625x16xf32, #tpu.memory_space<vmem_shared>>
      tpu.wait_dma2 semaphore(%run_scoped3A_13 : memref<!tpu.dma_semaphore, #tpu.memory_space<semaphore_mem>>) src(%dma_wait3A_23 : memref<625x16xf32, #tpu.memory_space<vmem_shared>>) dst(%dma_wait3A_21 : memref<625x16xf32, #tpu.memory_space<hbm>>)
      tpu.yield
    }) : () -> ()
    return
  }
}

module attributes {stable_mosaic.version = 14 : i64} {
  func.func @_tc_edge(%arg0: i32, %arg1: memref<1000x128xf32, #tpu.memory_space<vmem>>, %arg2: memref<1000x128xf32, #tpu.memory_space<vmem>>, %arg3: memref<1000x8xf32, #tpu.memory_space<vmem>>, %arg4: memref<128x256xbf16, #tpu.memory_space<vmem>>, %arg5: memref<1x256xf32, #tpu.memory_space<vmem>>, %arg6: memref<256x2048xbf16, #tpu.memory_space<vmem>>, %arg7: memref<128x128xbf16, #tpu.memory_space<vmem>>, %arg8: memref<128x2048xbf16, #tpu.memory_space<vmem>>, %arg9: memref<8x128xf32, #tpu.memory_space<vmem>>, %arg10: memref<1000x128xf32, #tpu.memory_space<vmem>>) attributes {dimension_semantics = [#tpu.dimension_semantics<arbitrary>], iteration_bounds = array<i64: 20>, scalar_prefetch = 0 : i64, scratch_operands = 0 : i64, tpu.core_type = #tpu.core_type<tc>, window_params = [{transform_indices = @transform_0, window_bounds = array<i64: 1000, 128>}, {transform_indices = @transform_1, window_bounds = array<i64: 1000, 128>}, {transform_indices = @transform_2, window_bounds = array<i64: 1000, 8>}, {pipeline_mode = #tpu.pipeline_mode<synchronous>, transform_indices = @transform_3, window_bounds = array<i64: 128, 256>}, {pipeline_mode = #tpu.pipeline_mode<synchronous>, transform_indices = @transform_4, window_bounds = array<i64: 1, 256>}, {pipeline_mode = #tpu.pipeline_mode<synchronous>, transform_indices = @transform_5, window_bounds = array<i64: 256, 2048>}, {pipeline_mode = #tpu.pipeline_mode<synchronous>, transform_indices = @transform_6, window_bounds = array<i64: 128, 128>}, {pipeline_mode = #tpu.pipeline_mode<synchronous>, transform_indices = @transform_7, window_bounds = array<i64: 128, 2048>}, {pipeline_mode = #tpu.pipeline_mode<synchronous>, transform_indices = @transform_8, window_bounds = array<i64: 8, 128>}, {transform_indices = @transform_9, window_bounds = array<i64: 1000, 128>}]} {
    %get3A = arith.constant 0 : index
    %get3A_0 = arith.constant 0 : index
    %get3A_1 = vector.load %arg2[%get3A, %get3A_0] : memref<1000x128xf32, #tpu.memory_space<vmem>>, vector<1000x128xf32>
    %convert_element_type3A = arith.truncf %get3A_1 : vector<1000x128xf32> to vector<1000x128xbf16>
    %get3A_2 = arith.constant 0 : index
    %get3A_3 = arith.constant 0 : index
    %get3A_4 = vector.load %arg1[%get3A_2, %get3A_3] : memref<1000x128xf32, #tpu.memory_space<vmem>>, vector<1000x128xf32>
    %convert_element_type3A_5 = arith.truncf %get3A_4 : vector<1000x128xf32> to vector<1000x128xbf16>
    %get3A_6 = arith.constant 0 : index
    %get3A_7 = arith.constant 0 : index
    %get3A_8 = vector.load %arg4[%get3A_6, %get3A_7] : memref<128x256xbf16, #tpu.memory_space<vmem>>, vector<128x256xbf16>
    %dot_general3A = arith.constant dense<0.000000e+00> : vector<1000x256xf32>
    %dot_general3A_9 = tpu.matmul %convert_element_type3A_5, %get3A_8, %dot_general3A {dimension_numbers = #tpu.dot_dimension_numbers<[1], [0], [0], [1], [0, 0, 1, 1], [], []>, transpose_lhs_hint = false} : vector<1000x128xbf16>, vector<128x256xbf16>, vector<1000x256xf32> -> vector<1000x256xf32>
    %get3A_10 = arith.constant 0 : index
    %get3A_11 = arith.constant 0 : index
    %get3A_12 = vector.load %arg5[%get3A_10, %get3A_11] : memref<1x256xf32, #tpu.memory_space<vmem>>, vector<1x256xf32>
    %add3A = vector.broadcast %get3A_12 : vector<1x256xf32> to vector<1000x256xf32>
    %add3A_13 = arith.addf %dot_general3A_9, %add3A : vector<1000x256xf32>
    %max3A = arith.constant 0.000000e+00 : f32
    %max3A_14 = vector.broadcast %max3A : f32 to vector<1000x256xf32>
    %max3A_15 = arith.maximumf %add3A_13, %max3A_14 : vector<1000x256xf32>
    %convert_element_type3A_16 = arith.truncf %max3A_15 : vector<1000x256xf32> to vector<1000x256xbf16>
    %get3A_17 = arith.constant 0 : index
    %get3A_18 = arith.constant 0 : index
    %get3A_19 = vector.load %arg6[%get3A_17, %get3A_18] : memref<256x2048xbf16, #tpu.memory_space<vmem>>, vector<256x2048xbf16>
    %dot_general3A_20 = arith.constant dense<0.000000e+00> : vector<1000x2048xf32>
    %dot_general3A_21 = tpu.matmul %convert_element_type3A_16, %get3A_19, %dot_general3A_20 {dimension_numbers = #tpu.dot_dimension_numbers<[1], [0], [0], [1], [0, 0, 1, 1], [], []>, transpose_lhs_hint = false} : vector<1000x256xbf16>, vector<256x2048xbf16>, vector<1000x2048xf32> -> vector<1000x2048xf32>
    %get3A_22 = arith.constant 0 : index
    %get3A_23 = arith.constant 0 : index
    %get3A_24 = vector.load %arg8[%get3A_22, %get3A_23] : memref<128x2048xbf16, #tpu.memory_space<vmem>>, vector<128x2048xbf16>
    %dot_general3A_25 = arith.constant dense<0.000000e+00> : vector<1000x2048xf32>
    %dot_general3A_26 = tpu.matmul %convert_element_type3A, %get3A_24, %dot_general3A_25 {dimension_numbers = #tpu.dot_dimension_numbers<[1], [0], [0], [1], [0, 0, 1, 1], [], []>, transpose_lhs_hint = false} : vector<1000x128xbf16>, vector<128x2048xbf16>, vector<1000x2048xf32> -> vector<1000x2048xf32>
    %mul3A = arith.mulf %dot_general3A_21, %dot_general3A_26 : vector<1000x2048xf32>
    %slice3A = vector.extract_strided_slice %mul3A {offsets = [0, 0], sizes = [1000, 128], strides = [1, 1]} : vector<1000x2048xf32> to vector<1000x128xf32>
    %slice3A_27 = vector.extract_strided_slice %mul3A {offsets = [0, 128], sizes = [1000, 128], strides = [1, 1]} : vector<1000x2048xf32> to vector<1000x128xf32>
    %slice3A_28 = vector.extract_strided_slice %mul3A {offsets = [0, 256], sizes = [1000, 128], strides = [1, 1]} : vector<1000x2048xf32> to vector<1000x128xf32>
    %slice3A_29 = vector.extract_strided_slice %mul3A {offsets = [0, 384], sizes = [1000, 128], strides = [1, 1]} : vector<1000x2048xf32> to vector<1000x128xf32>
    %slice3A_30 = vector.extract_strided_slice %mul3A {offsets = [0, 512], sizes = [1000, 128], strides = [1, 1]} : vector<1000x2048xf32> to vector<1000x128xf32>
    %slice3A_31 = vector.extract_strided_slice %mul3A {offsets = [0, 640], sizes = [1000, 128], strides = [1, 1]} : vector<1000x2048xf32> to vector<1000x128xf32>
    %slice3A_32 = vector.extract_strided_slice %mul3A {offsets = [0, 768], sizes = [1000, 128], strides = [1, 1]} : vector<1000x2048xf32> to vector<1000x128xf32>
    %slice3A_33 = vector.extract_strided_slice %mul3A {offsets = [0, 896], sizes = [1000, 128], strides = [1, 1]} : vector<1000x2048xf32> to vector<1000x128xf32>
    %slice3A_34 = vector.extract_strided_slice %mul3A {offsets = [0, 1024], sizes = [1000, 128], strides = [1, 1]} : vector<1000x2048xf32> to vector<1000x128xf32>
    %slice3A_35 = vector.extract_strided_slice %mul3A {offsets = [0, 1152], sizes = [1000, 128], strides = [1, 1]} : vector<1000x2048xf32> to vector<1000x128xf32>
    %slice3A_36 = vector.extract_strided_slice %mul3A {offsets = [0, 1280], sizes = [1000, 128], strides = [1, 1]} : vector<1000x2048xf32> to vector<1000x128xf32>
    %slice3A_37 = vector.extract_strided_slice %mul3A {offsets = [0, 1408], sizes = [1000, 128], strides = [1, 1]} : vector<1000x2048xf32> to vector<1000x128xf32>
    %slice3A_38 = vector.extract_strided_slice %mul3A {offsets = [0, 1536], sizes = [1000, 128], strides = [1, 1]} : vector<1000x2048xf32> to vector<1000x128xf32>
    %slice3A_39 = vector.extract_strided_slice %mul3A {offsets = [0, 1664], sizes = [1000, 128], strides = [1, 1]} : vector<1000x2048xf32> to vector<1000x128xf32>
    %slice3A_40 = vector.extract_strided_slice %mul3A {offsets = [0, 1792], sizes = [1000, 128], strides = [1, 1]} : vector<1000x2048xf32> to vector<1000x128xf32>
    %slice3A_41 = vector.extract_strided_slice %mul3A {offsets = [0, 1920], sizes = [1000, 128], strides = [1, 1]} : vector<1000x2048xf32> to vector<1000x128xf32>
    %add3A_42 = arith.addf %slice3A, %slice3A_27 : vector<1000x128xf32>
    %add3A_43 = arith.addf %slice3A_28, %slice3A_29 : vector<1000x128xf32>
    %add3A_44 = arith.addf %slice3A_30, %slice3A_31 : vector<1000x128xf32>
    %add3A_45 = arith.addf %slice3A_32, %slice3A_33 : vector<1000x128xf32>
    %add3A_46 = arith.addf %slice3A_34, %slice3A_35 : vector<1000x128xf32>
    %add3A_47 = arith.addf %slice3A_36, %slice3A_37 : vector<1000x128xf32>
    %add3A_48 = arith.addf %slice3A_38, %slice3A_39 : vector<1000x128xf32>
    %add3A_49 = arith.addf %slice3A_40, %slice3A_41 : vector<1000x128xf32>
    %add3A_50 = arith.addf %add3A_42, %add3A_43 : vector<1000x128xf32>
    %add3A_51 = arith.addf %add3A_44, %add3A_45 : vector<1000x128xf32>
    %add3A_52 = arith.addf %add3A_46, %add3A_47 : vector<1000x128xf32>
    %add3A_53 = arith.addf %add3A_48, %add3A_49 : vector<1000x128xf32>
    %add3A_54 = arith.addf %add3A_50, %add3A_51 : vector<1000x128xf32>
    %add3A_55 = arith.addf %add3A_52, %add3A_53 : vector<1000x128xf32>
    %add3A_56 = arith.addf %add3A_54, %add3A_55 : vector<1000x128xf32>
    %get3A_57 = arith.constant 0 : index
    %get3A_58 = arith.constant 0 : index
    %get3A_59 = vector.load %arg7[%get3A_57, %get3A_58] : memref<128x128xbf16, #tpu.memory_space<vmem>>, vector<128x128xbf16>
    %dot_general3A_60 = arith.constant dense<0.000000e+00> : vector<1000x128xf32>
    %dot_general3A_61 = tpu.matmul %convert_element_type3A, %get3A_59, %dot_general3A_60 {dimension_numbers = #tpu.dot_dimension_numbers<[1], [0], [0], [1], [0, 0, 1, 1], [], []>, transpose_lhs_hint = false} : vector<1000x128xbf16>, vector<128x128xbf16>, vector<1000x128xf32> -> vector<1000x128xf32>
    %add3A_62 = arith.addf %add3A_56, %dot_general3A_61 : vector<1000x128xf32>
    %get3A_63 = arith.constant 0 : index
    %get3A_64 = arith.constant 0 : index
    %get3A_65 = vector.load %arg3[%get3A_63, %get3A_64] : memref<1000x8xf32, #tpu.memory_space<vmem>>, vector<1000x8xf32>
    %get3A_66 = arith.constant 0 : index
    %get3A_67 = arith.constant 0 : index
    %get3A_68 = vector.load %arg9[%get3A_66, %get3A_67] : memref<8x128xf32, #tpu.memory_space<vmem>>, vector<8x128xf32>
    %dot_general3A_69 = arith.constant dense<0.000000e+00> : vector<1000x128xf32>
    %dot_general3A_70 = tpu.matmul %get3A_65, %get3A_68, %dot_general3A_69 {dimension_numbers = #tpu.dot_dimension_numbers<[1], [0], [0], [1], [0, 0, 1, 1], [], []>, transpose_lhs_hint = false} : vector<1000x8xf32>, vector<8x128xf32>, vector<1000x128xf32> -> vector<1000x128xf32>
    %mul3A_71 = arith.mulf %add3A_62, %dot_general3A_70 : vector<1000x128xf32>
    %swap3A = arith.constant 0 : index
    %swap3A_72 = arith.constant 0 : index
    %swap3A_73 = vector.load %arg10[%swap3A, %swap3A_72] : memref<1000x128xf32, #tpu.memory_space<vmem>>, vector<1000x128xf32>
    tpu.vector_store %arg10[%swap3A, %swap3A_72], %mul3A_71 {strides = array<i32>} : memref<1000x128xf32, #tpu.memory_space<vmem>>, vector<1000x128xf32>,
    return
  }
  func.func @transform_0(%arg0: i32) -> (i32, i32) {
    %c0_i32 = arith.constant 0 : i32
    %c0_i32_0 = arith.constant 0 : i32
    return %arg0, %c0_i32 : i32, i32
  }
  func.func @transform_1(%arg0: i32) -> (i32, i32) {
    %c0_i32 = arith.constant 0 : i32
    %c0_i32_0 = arith.constant 0 : i32
    return %arg0, %c0_i32 : i32, i32
  }
  func.func @transform_2(%arg0: i32) -> (i32, i32) {
    %c0_i32 = arith.constant 0 : i32
    %c0_i32_0 = arith.constant 0 : i32
    return %arg0, %c0_i32 : i32, i32
  }
  func.func @transform_3(%arg0: i32) -> (i32, i32) {
    %c0_i32 = arith.constant 0 : i32
    %c0_i32_0 = arith.constant 0 : i32
    %c0_i32_1 = arith.constant 0 : i32
    return %c0_i32, %c0_i32_0 : i32, i32
  }
  func.func @transform_4(%arg0: i32) -> (i32, i32) {
    %c0_i32 = arith.constant 0 : i32
    %c0_i32_0 = arith.constant 0 : i32
    %c0_i32_1 = arith.constant 0 : i32
    return %c0_i32, %c0_i32_0 : i32, i32
  }
  func.func @transform_5(%arg0: i32) -> (i32, i32) {
    %c0_i32 = arith.constant 0 : i32
    %c0_i32_0 = arith.constant 0 : i32
    %c0_i32_1 = arith.constant 0 : i32
    return %c0_i32, %c0_i32_0 : i32, i32
  }
  func.func @transform_6(%arg0: i32) -> (i32, i32) {
    %c0_i32 = arith.constant 0 : i32
    %c0_i32_0 = arith.constant 0 : i32
    %c0_i32_1 = arith.constant 0 : i32
    return %c0_i32, %c0_i32_0 : i32, i32
  }
  func.func @transform_7(%arg0: i32) -> (i32, i32) {
    %c0_i32 = arith.constant 0 : i32
    %c0_i32_0 = arith.constant 0 : i32
    %c0_i32_1 = arith.constant 0 : i32
    return %c0_i32, %c0_i32_0 : i32, i32
  }
  func.func @transform_8(%arg0: i32) -> (i32, i32) {
    %c0_i32 = arith.constant 0 : i32
    %c0_i32_0 = arith.constant 0 : i32
    %c0_i32_1 = arith.constant 0 : i32
    return %c0_i32, %c0_i32_0 : i32, i32
  }
  func.func @transform_9(%arg0: i32) -> (i32, i32) {
    %c0_i32 = arith.constant 0 : i32
    %c0_i32_0 = arith.constant 0 : i32
    return %arg0, %c0_i32 : i32, i32
  }
}

module attributes {stable_mosaic.version = 14 : i64} {
  func.func @_tc_final(%arg0: memref<2x1250x128xf32, #tpu.memory_space<vmem>>, %arg1: memref<1250x8xf32, #tpu.memory_space<vmem>>, %arg2: memref<1250x128xf32, #tpu.memory_space<vmem>>, %arg3: memref<128x128xf32, #tpu.memory_space<vmem>>, %arg4: memref<8x128xf32, #tpu.memory_space<vmem>>, %arg5: memref<128x128xf32, #tpu.memory_space<vmem>>, %arg6: memref<1x128xf32, #tpu.memory_space<vmem>>, %arg7: memref<1x128xf32, #tpu.memory_space<vmem>>, %arg8: memref<1250x128xf32, #tpu.memory_space<vmem>>) attributes {dimension_semantics = [], scalar_prefetch = 0 : i64, scratch_operands = 0 : i64, tpu.core_type = #tpu.core_type<tc>} {
    %get3A = arith.constant 0 : index
    %get3A_0 = arith.constant 0 : index
    %get3A_1 = arith.constant 0 : index
    %get3A_2 = vector.load %arg0[%get3A, %get3A_0, %get3A_1] : memref<2x1250x128xf32, #tpu.memory_space<vmem>>, vector<1x1250x128xf32>
    %get3A_3 = vector.shape_cast %get3A_2 : vector<1x1250x128xf32> to vector<1250x128xf32>
    %get3A_4 = arith.constant 1 : index
    %get3A_5 = arith.constant 0 : index
    %get3A_6 = arith.constant 0 : index
    %get3A_7 = vector.load %arg0[%get3A_4, %get3A_5, %get3A_6] : memref<2x1250x128xf32, #tpu.memory_space<vmem>>, vector<1x1250x128xf32>
    %get3A_8 = vector.shape_cast %get3A_7 : vector<1x1250x128xf32> to vector<1250x128xf32>
    %add3A = arith.addf %get3A_3, %get3A_8 : vector<1250x128xf32>
    %get3A_9 = arith.constant 0 : index
    %get3A_10 = arith.constant 0 : index
    %get3A_11 = vector.load %arg1[%get3A_9, %get3A_10] : memref<1250x8xf32, #tpu.memory_space<vmem>>, vector<1250x8xf32>
    %get3A_12 = arith.constant 0 : index
    %get3A_13 = arith.constant 0 : index
    %get3A_14 = vector.load %arg4[%get3A_12, %get3A_13] : memref<8x128xf32, #tpu.memory_space<vmem>>, vector<8x128xf32>
    %dot_general3A = arith.constant dense<0.000000e+00> : vector<1250x128xf32>
    %dot_general3A_15 = tpu.matmul %get3A_11, %get3A_14, %dot_general3A {dimension_numbers = #tpu.dot_dimension_numbers<[1], [0], [0], [1], [0, 0, 1, 1], [], []>, transpose_lhs_hint = false} : vector<1250x8xf32>, vector<8x128xf32>, vector<1250x128xf32> -> vector<1250x128xf32>
    %max3A = arith.constant 1.000000e+00 : f32
    %max3A_16 = vector.broadcast %max3A : f32 to vector<1250x128xf32>
    %max3A_17 = arith.maximumf %dot_general3A_15, %max3A_16 : vector<1250x128xf32>
    %div3A = arith.divf %add3A, %max3A_17 : vector<1250x128xf32>
    %get3A_18 = arith.constant 0 : index
    %get3A_19 = arith.constant 0 : index
    %get3A_20 = vector.load %arg2[%get3A_18, %get3A_19] : memref<1250x128xf32, #tpu.memory_space<vmem>>, vector<1250x128xf32>
    %get3A_21 = arith.constant 0 : index
    %get3A_22 = arith.constant 0 : index
    %get3A_23 = vector.load %arg3[%get3A_21, %get3A_22] : memref<128x128xf32, #tpu.memory_space<vmem>>, vector<128x128xf32>
    %dot_general3A_24 = arith.constant dense<0.000000e+00> : vector<1250x128xf32>
    %dot_general3A_25 = tpu.matmul %get3A_20, %get3A_23, %dot_general3A_24 {dimension_numbers = #tpu.dot_dimension_numbers<[1], [0], [0], [1], [0, 0, 1, 1], [], []>, transpose_lhs_hint = false} : vector<1250x128xf32>, vector<128x128xf32>, vector<1250x128xf32> -> vector<1250x128xf32>
    %add3A_26 = arith.addf %div3A, %dot_general3A_25 : vector<1250x128xf32>
    %reduce_sum3A = arith.constant dense<0.000000e+00> : vector<128xf32>
    %reduce_sum3A_27 = vector.multi_reduction <add>, %add3A_26, %reduce_sum3A [0] : vector<1250x128xf32> to vector<128xf32>
    %broadcast_in_dim3A = vector.shape_cast %reduce_sum3A_27 : vector<128xf32> to vector<1x128xf32>
    %div3A_28 = arith.constant 1.250000e+03 : f32
    %div3A_29 = vector.broadcast %div3A_28 : f32 to vector<1x128xf32>
    %div3A_30 = arith.divf %broadcast_in_dim3A, %div3A_29 : vector<1x128xf32>
    %mul3A = arith.mulf %add3A_26, %add3A_26 : vector<1250x128xf32>
    %reduce_sum3A_31 = arith.constant dense<0.000000e+00> : vector<128xf32>
    %reduce_sum3A_32 = vector.multi_reduction <add>, %mul3A, %reduce_sum3A_31 [0] : vector<1250x128xf32> to vector<128xf32>
    %broadcast_in_dim3A_33 = vector.shape_cast %reduce_sum3A_32 : vector<128xf32> to vector<1x128xf32>
    %div3A_34 = arith.constant 1.250000e+03 : f32
    %div3A_35 = vector.broadcast %div3A_34 : f32 to vector<1x128xf32>
    %div3A_36 = arith.divf %broadcast_in_dim3A_33, %div3A_35 : vector<1x128xf32>
    %get3A_37 = arith.constant 0 : index
    %get3A_38 = arith.constant 0 : index
    %get3A_39 = vector.load %arg5[%get3A_37, %get3A_38] : memref<128x128xf32, #tpu.memory_space<vmem>>, vector<128x128xf32>
    %dot_general3A_40 = arith.constant dense<0.000000e+00> : vector<1x128xf32>
    %dot_general3A_41 = tpu.matmul %div3A_30, %get3A_39, %dot_general3A_40 {dimension_numbers = #tpu.dot_dimension_numbers<[1], [0], [0], [1], [0, 0, 1, 1], [], []>, transpose_lhs_hint = false} : vector<1x128xf32>, vector<128x128xf32>, vector<1x128xf32> -> vector<1x128xf32>
    %get3A_42 = arith.constant 0 : index
    %get3A_43 = arith.constant 0 : index
    %get3A_44 = vector.load %arg5[%get3A_42, %get3A_43] : memref<128x128xf32, #tpu.memory_space<vmem>>, vector<128x128xf32>
    %dot_general3A_45 = arith.constant dense<0.000000e+00> : vector<1x128xf32>
    %dot_general3A_46 = tpu.matmul %div3A_36, %get3A_44, %dot_general3A_45 {dimension_numbers = #tpu.dot_dimension_numbers<[1], [0], [0], [1], [0, 0, 1, 1], [], []>, transpose_lhs_hint = false} : vector<1x128xf32>, vector<128x128xf32>, vector<1x128xf32> -> vector<1x128xf32>
    %mul3A_47 = arith.mulf %dot_general3A_41, %dot_general3A_41 : vector<1x128xf32>
    %sub3A = arith.subf %dot_general3A_46, %mul3A_47 : vector<1x128xf32>
    %sub3A_48 = vector.broadcast %dot_general3A_41 : vector<1x128xf32> to vector<1250x128xf32>
    %sub3A_49 = arith.subf %add3A_26, %sub3A_48 : vector<1250x128xf32>
    %add3A_50 = arith.constant 9.99999974E-6 : f32
    %add3A_51 = vector.broadcast %add3A_50 : f32 to vector<1x128xf32>
    %add3A_52 = arith.addf %sub3A, %add3A_51 : vector<1x128xf32>
    %rsqrt3A = math.rsqrt %add3A_52 : vector<1x128xf32>
    %mul3A_53 = vector.broadcast %rsqrt3A : vector<1x128xf32> to vector<1250x128xf32>
    %mul3A_54 = arith.mulf %sub3A_49, %mul3A_53 : vector<1250x128xf32>
    %get3A_55 = arith.constant 0 : index
    %get3A_56 = arith.constant 0 : index
    %get3A_57 = vector.load %arg6[%get3A_55, %get3A_56] : memref<1x128xf32, #tpu.memory_space<vmem>>, vector<1x128xf32>
    %mul3A_58 = vector.broadcast %get3A_57 : vector<1x128xf32> to vector<1250x128xf32>
    %mul3A_59 = arith.mulf %mul3A_54, %mul3A_58 : vector<1250x128xf32>
    %get3A_60 = arith.constant 0 : index
    %get3A_61 = arith.constant 0 : index
    %get3A_62 = vector.load %arg7[%get3A_60, %get3A_61] : memref<1x128xf32, #tpu.memory_space<vmem>>, vector<1x128xf32>
    %add3A_63 = vector.broadcast %get3A_62 : vector<1x128xf32> to vector<1250x128xf32>
    %add3A_64 = arith.addf %mul3A_59, %add3A_63 : vector<1250x128xf32>
    %swap3A = arith.constant 0 : index
    %swap3A_65 = arith.constant 0 : index
    %swap3A_66 = vector.load %arg8[%swap3A, %swap3A_65] : memref<1250x128xf32, #tpu.memory_space<vmem>>, vector<1250x128xf32>
    tpu.vector_store %arg8[%swap3A, %swap3A_65], %add3A_64 {strides = array<i32>} : memref<1250x128xf32, #tpu.memory_space<vmem>>, vector<1250x128xf32>,
    return
  }
}

</mosaic_0001>

<sc_bundles>
// kernel: kernel.6.cloned.1.call-start
scs
__scs_entry_jumppad:
0x0: {  	(pc) =	sbr.rel $0x88, $3  }
0x1: {  	(tag) =	ssettag $0x0;
	lr =	simm.s32 $0x1  }
0x2: {  	[smem:$0x3F96] =	sst lr;
	_ =	strace $0xD0000000  }
0x3: {  	_ = 	snop  }
0x4: {  	_ = 	snop  }
0x5: {  	_ = 	snop  }
0x6: {  	_ = 	snop  }
0x7: {  	_ = 	snop  }
__scs_overlays_trampoline_lowered:
0x8: {  	[smem:$0x3FA5] =	sst s0  }
0x9: {  	[smem:$0x3FA6] =	sst s1  }
0xa: {  	[smem:$0x3FA7] =	sst s2  }
0xb: {  	[smem:$0x3FA8] =	sst s3  }
0xc: {  	[smem:$0x3FA9] =	sst s4  }
0xd: {  	[smem:$0x3FAA] =	sst s5  }
0xe: {  	[smem:$0x3FAB] =	sst s6  }
0xf: {  	[smem:$0x3FAC] =	sst s7  }
0x10: {  	[smem:$0x3FAD] =	sst s8  }
0x11: {  	[smem:$0x3FAE] =	sst s9;
	s0 =	simm.s32 @!p0 $0x0  }
0x12: {  	s1 =	sld [smem:$0x3F94];
	s0 =	simm.s32 @p0 $0x1  }
0x13: {  	[smem:$0x3FAF] =	sst s0;
	s0 =	simm.s32 @!p1 $0x0  }
0x14: {  	s2 =	sld [smem:$0x3F93];
	s0 =	simm.s32 @p1 $0x1  }
0x15: {  	[smem:$0x3FB0] =	sst s0;
	s0 =	simm.s32 @!p2 $0x0  }
0x16: {  	s3 =	sld [smem:$0x3FDB];
	s0 =	simm.s32 @p2 $0x1  }
0x17: {  	s4 =	simm.s32 $0x1BF5;
	[smem:$0x3FB2] =	sst s0  }
0x18: {  	s0 =	sld [smem:$0x3F95];
	_ =	swait.ge [sflag:s4], $0x0  }
0x19: {  	s7 =	sld [smem:$0x3F96]  }
0x1a: {  	s8 =	sadd.s32 $0xFFFFE003, lr  }
0x1b: {  	s9 =	sadd.s32 $0xFFFFFEF7, lr;
	s5 =	simm.s32 $0xFFFFFFFF;
	p2 =	slt.u32 s8, $0xFFFFF086  }
0x1c: {  	p1 =	slt.u32 s9, $0xF7A;
	s5 =	simm.s32 @!p2 $0x0  }
0x1d: {  	s5 =	simm.s32 @p1 $0x1;
	p0 =	seq.s32 s7, s2  }
0x1e: {  	s7 =	smul.u32 @!p0 $0xF7A, s2;
	p2 =	seq.s32 @!p0 s5, $0x0  }
0x1f: {  	s9 =	smul.u32 $0xF7A, s1;
	s8 =	simm.s32 @!p0 $0x1BF5;
	p2 =	por !p2, p0  }
0x20: {  	[sflag:s8] =	ssyncset.s32 @!p0 $0xFFFFF086;
	s6 =	sadd.s32 @!p0 s3, s7;
	s7 =	simm.s32 @!p0 $0x108  }
0x21: {  	s3 =	sadd.s32 s3, s9;
	s6 =	sadd.s32 @!p0 $0x88, s6;
	s7 =	simm.s32 @p2 $0x1082  }
0x22: {  	[simem:s7], [sflag:s8] =	dma.local @!p0 [hbm:s6], $0xF7A  }
0x23: {  	s9 =	sor.u32 $0xD0000000, s2;
	s6 =	simm.s32 $0x108;
	_ =	swait.ge @!p0 [sflag:s8], $0x0  }
0x24: {  	s3 =	sadd.s32 $0x88, s3;
	s6 =	simm.s32 @!p1 $0x1082;
	[sflag:s4] =	ssyncset.s32 $0xFFFFF086  }
0x25: {  	[simem:s6], [sflag:s4] =	dma.local [hbm:s3], $0xF7A  }
0x26: {  	[smem:$0x3F96] =	sst s1;
	(tag) =	ssettag s2;
	_ =	strace s9  }
0x27: {  	s1 =	sld [smem:$0x3FA6]  }
0x28: {  	s2 =	sld [smem:$0x3FA7]  }
0x29: {  	s4 =	sld [smem:$0x3FA9]  }
0x2a: {  	p0 =	seq.s32 s5, $0x0;
	s5 =	sld [smem:$0x3FAA]  }
0x2b: {  	s6 =	sld [smem:$0x3FAB]  }
0x2c: {  	s7 =	sld [smem:$0x3FAC]  }
0x2d: {  	s3 =	simm.s32 $0x108;
	s8 =	sld [smem:$0x3FAD]  }
0x2e: {  	s3 =	simm.s32 @!p0 $0x1082;
	s9 =	sld [smem:$0x3FAE]  }
0x2f: {  	lr =	sadd.s32 s0, s3;
	s0 =	sld [smem:$0x3FA5]  }
0x30: {  	s3 =	sld [smem:$0x3FA8]  }
0x31: {  	[smem:$0x3FB1] =	sst s10  }
0x32: {  	s10 =	sld [smem:$0x3FAF];
	_ =	sdelay $0x3  }
0x33: {  	p0 =	seq.s32 s10, $0x1;
	s10 =	sld [smem:$0x3FB1];
	_ =	sdelay $0x3  }
0x34: {  	[smem:$0x3FB1] =	sst s10  }
0x35: {  	s10 =	sld [smem:$0x3FB0];
	_ =	sdelay $0x3  }
0x36: {  	p1 =	seq.s32 s10, $0x1;
	s10 =	sld [smem:$0x3FB1];
	_ =	sdelay $0x3  }
0x37: {  	[smem:$0x3FB1] =	sst s10  }
0x38: {  	s10 =	sld [smem:$0x3FB2]  }
0x39: {  	_ = 	snop;
	(pc) =	sbr.ind lr, $3  }
0x3a: {  	_ = 	snop  }
0x3b: {  	_ = 	snop  }
0x3c: {  	p2 =	seq.s32 s10, $0x1;
	s10 =	sld [smem:$0x3FB1]  }
0x3d: {  	_ =	shalt  }
0x3e: {  	_ =	shalt  }
0x3f: {  	_ =	shalt  }
0x40: {  	_ =	shalt  }
0x41: {  	_ =	shalt  }
0x42: {  	_ =	shalt  }
0x43: {  	_ =	shalt  }
0x44: {  	_ =	shalt  }
0x45: {  	_ =	shalt  }
0x46: {  	_ =	shalt  }
0x47: {  	_ =	shalt  }
0x48: {  	_ =	shalt  }
0x49: {  	_ =	shalt  }
0x4a: {  	_ =	shalt  }
0x4b: {  	_ =	shalt  }
0x4c: {  	_ =	shalt  }
0x4d: {  	_ =	shalt  }
0x4e: {  	_ =	shalt  }
0x4f: {  	_ =	shalt  }
0x50: {  	_ =	shalt  }
0x51: {  	_ =	shalt  }
0x52: {  	_ =	shalt  }
0x53: {  	_ =	shalt  }
0x54: {  	_ =	shalt  }
0x55: {  	_ =	shalt  }
0x56: {  	_ =	shalt  }
0x57: {  	_ =	shalt  }
0x58: {  	_ =	shalt  }
0x59: {  	_ =	shalt  }
0x5a: {  	_ =	shalt  }
0x5b: {  	_ =	shalt  }
0x5c: {  	_ =	shalt  }
0x5d: {  	_ =	shalt  }
0x5e: {  	_ =	shalt  }
0x5f: {  	_ =	shalt  }
0x60: {  	_ =	shalt  }
0x61: {  	_ =	shalt  }
0x62: {  	_ =	shalt  }
0x63: {  	_ =	shalt  }
0x64: {  	_ =	shalt  }
0x65: {  	_ =	shalt  }
0x66: {  	_ =	shalt  }
0x67: {  	_ =	shalt  }
0x68: {  	_ =	shalt  }
0x69: {  	_ =	shalt  }
0x6a: {  	_ =	shalt  }
0x6b: {  	_ =	shalt  }
0x6c: {  	_ =	shalt  }
0x6d: {  	_ =	shalt  }
0x6e: {  	_ =	shalt  }
0x6f: {  	_ =	shalt  }
0x70: {  	_ =	shalt  }
0x71: {  	_ =	shalt  }
0x72: {  	_ =	shalt  }
0x73: {  	_ =	shalt  }
0x74: {  	_ =	shalt  }
0x75: {  	_ =	shalt  }
0x76: {  	_ =	shalt  }
0x77: {  	_ =	shalt  }
0x78: {  	_ =	shalt  }
0x79: {  	_ =	shalt  }
0x7a: {  	_ =	shalt  }
0x7b: {  	_ =	shalt  }
0x7c: {  	_ =	shalt  }
0x7d: {  	_ =	shalt  }
0x7e: {  	_ =	shalt  }
0x7f: {  	_ =	shalt  }
0x80: {  	_ =	shalt  }
0x81: {  	_ =	shalt  }
0x82: {  	_ =	shalt  }
0x83: {  	_ =	shalt  }
0x84: {  	_ =	shalt  }
0x85: {  	_ =	shalt  }
0x86: {  	_ =	shalt  }
0x87: {  	_ =	shalt  }
.Lfunc_end0:
.L_simem_size_0:
called_computation_lowered:
.L_overlay_start_0:
0x88: {  	s2 =	sld [smem:$0x3FD9]  }
0x89: {  	s3 =	sld [smem:$0x3FFE];
	_ =	sdelay $0x1  }
0x8a: {  	s1 =	srdreg.scid  }
0x8b: {  	s0 =	sand.u32 $0x1, s1  }
0x8c: {  	s17 =	sshll.u32 s0, $0xA;
	s2 =	sadd.s32 s3, s2  }
0x8d: {  	s2 =	sadd.s32 s2, s17  }
0x8e: {  	[smem:$0x3FBD] =	sst s2  }
0x8f: {  	_ = 	snop  }
0x90: {  	s2 =	sld [smem:$0x3FD0];
	(tm) =	ssettm $0x1  }
0x91: {  	s18 =	sld [smem:$0x3FFB];
	_ =	sdelay $0x3  }
0x92: {  	_ =	strace s18  }
0x93: {  	s3 =	sld [smem:$0x3FFC];
	_ =	sdelay $0x3  }
0x94: {  	_ =	strace s3  }
0x95: {  	s3 =	sld [smem:$0x3FFD];
	_ =	sdelay $0x3  }
0x96: {  	_ =	strace s3  }
0x97: {  	_ =	strace $0x8FFFFFFF  }
0x98: {  	s19 =	sld [smem:$0x3FDB];
	_ =	sdelay $0x1  }
0x99: {  	s4 =	simm.s32 $_scs_section_size  }
0x9a: {  	s5 =	simm.s32 $_size__tile_overlayer_lowered;
	s6 =	simm.s32 $_tile_overlayer_lowered  }
0x9b: {  	s22 =	simm.s32 $0x1BFF;
	s21 =	sshll.u32 s6, $0x1;
	s3 =	sadd.s32 s4, s19  }
0x9c: {  	s7 =	simm.s32 $0x0;
	s20 =	sshll.u32 s5, $0x1;
	s5 =	sadd.s32 s21, s3  }
0x9d: {  	[timem:s7], [sflag:s22] =	dma.local [hbm:s5], s20  }
0x9e: {  	_ =	swait.ge [sflag:s22], s20  }
0x9f: {  	s4 =	ssub.s32 $0x0, s20;
	[sflag:s22] =	ssyncset.done $0x0  }
0xa0: {  	[sflag:s22] =	ssyncadd.s32 s4;
	_ =	sdelay $0x1  }
0xa1: {  	s23 =	simm.s32 $0x1B8B  }
0xa2: {  	_ =	swait.ge [sflag:s23], $0x1  }
0xa3: {  	[sflag:s23] =	ssyncset.done $0x0  }
0xa4: {  	s25 =	simm.s32 $0x1B8E;
	s24 =	sld [smem:$0x3FFE];
	[sflag:s23] =	ssyncadd.s32 $0xFFFFFFFF  }
0xa5: {  	s26 =	simm.s32 $execute0_lowered;
	[smem:$0x3FD2] =	sst s25  }
0xa6: {  	s5 =	sshll.u32 s26, $0x1;
	_ =	strace $0x80000046;
	[dreg:$0x1] =	wrdreg $0xFFFFFFFF  }
0xa7: {  	s28 =	simm.s32 $_size_execute0_lowered;
	s3 =	sadd.s32 s3, s5;
	[dreg:$0x0] =	wrdreg $0x0  }
0xa8: {  	s5 =	sshll.u32 s28, $0x1;
	[dreg:$0x2] =	wrdreg s3  }
0xa9: {  	[dreg:$0x3] =	wrdreg s5  }
0xaa: {  	[dreg:$0x4] =	wrdreg $0xC0  }
0xab: {  	_ =	task [dreg:s7], $0x5FFFF  }
0xac: {  	[dreg:$0x1] =	wrdreg $0xFFFFFFFF  }
0xad: {  	[dreg:$0x0] =	wrdreg $0x60  }
0xae: {  	[dreg:$0x2] =	wrdreg s24  }
0xaf: {  	[dreg:$0x3] =	wrdreg s2  }
0xb0: {  	[dreg:$0x4] =	wrdreg $0x162180  }
0xb1: {  	[dreg:$0x5] =	wrdreg $0x9  }
0xb2: {  	_ =	task.clear_ibuf [dreg:s7], $0x6FFFF;
	_ =	strace $0x90000046  }
0xb3: {  	s29 =	simm.s32 $0x9;
	_ =	strace $0x80000048  }
0xb4: {  	_ =	swait.ge [sflag:s29], $0x1  }
0xb5: {  	[sflag:s29] =	ssyncadd.s32 $0xFFFFFFFF  }
0xb6: {  	_ =	strace $0x90000048  }
0xb7: {  	_ =	sfence  }
0xb8: {  	s30 =	sld [smem:$0x0];
	_ =	sdelay $0x2  }
0xb9: {  	s31 =	sshll.u32 s1, $0xD;
	s1 =	sshrl.u32 s1, $0x2  }
0xba: {  	s3 =	sand.u32 $0x4000, s31;
	s1 =	sadd.s32 s1, s30  }
0xbb: {  	s0 =	sor.u32 s3, s0;
	s1 =	sshll.u32 s1, $0x11  }
0xbc: {  	s0 =	sor.u32 s1, s0  }
0xbd: {  	s0 =	sadd.s32 $0x8F2B, s0  }
0xbe: {  	[sflag:s0] =	ssyncadd.remote.s32 $0x1  }
0xbf: {  	_ =	sfence.sel $0xFFFF  }
0xc0: {  	[dreg:$0x0] =	wrdreg $0xFFFFFFFF;
	(pc) =	sbr.abs _section_cstart, $3  }
0xc1: {  	[dreg:$0x1] =	wrdreg $0xFFFFFFFF  }
0xc2: {  	_ =	task.clear_ibuf [dreg:s7], $0x2FFFF;
	_ =	strace $0x9FFFFFFF  }
0xc3: {  	(tm) =	ssettm $0x7FFFFFFF  }
tec
execute0_lowered:
.L_overlay_start_1:
0x0: {  	(tag) =	ssettag $0x1  }
0x1: {  	s1 =	srdreg.scid;
	s5 =	rddreg [dreg:$0x0]  }
0x2: {  	s0 =	stileid.u32;
	s2 =	rddreg [dreg:$0x1]  }
0x3: {  	s3 =	rddreg [dreg:$0x2];
	s4 =	simm.s32 $0x0;
	s12 =	simm.s32 $0x1388  }
0x4: {  	s13 =	simm.s32 $0x1;
	s14 =	simm.s32 $0x15F98;
	s15 =	simm.s32 $0x14C08  }
0x5: {  	s18 =	simm.s32 $0x0;
	s6 =	sand.u32 $0x1, s1;
	s1 =	rddreg [dreg:$0x3]  }
0x6: {  	s31 =	sshll.u32 s0, $0x1;
	s9 =	smul.u32 $0x280, s0;
	[smem:$0x7FF] =	sst s4  }
0x7: {  	s16 =	sshll.u32 s0, $0x6;
	s7 =	sor.u32 s6, s31;
	s10 =	smul.u32 $0x2800, s6  }
0x8: {  	_ =	strace $0x80000047;
	s6 =	ssub.s32 $0x2, s6;
	s8 =	smul.u32 $0x1388, s7  }
0x9: {  	s16 =	sor.u32 $0x1C02, s16;
	s7 =	smul.u32 $0x2710, s7;
	s11 =	sshrl.u32 s6, $0x1  }
0xa: {  	s10 =	sadd.s32 s9, s10;
	s11 =	ssub.s32 s6, s11;
	s8 =	sshrl.u32 s8, $0x3  }
0xb: {  	s10 =	sshrl.u32 s10, $0x3;
	s7 =	sadd.s32 s7, s5;
	s8 =	sadd.s32 s8, s5  }
0xc: {  	s10 =	sadd.s32 s10, s5;
	s6 =	sadd.s32 $0xD600, s7;
	s7 =	sadd.s32 s9, s3  }
0xd: {  	s5 =	sadd.s32 $0x3800, s8;
	s8 =	sadd.s32 $0x8620, s8;
	s9 =	sadd.s32 $0x5B800, s10  }
0xe: {  	v0 =	vimm.f32 $0.0e+00;
	v1 =	vimm.f32 $1.000000000e+00;
	s10 =	smax.u32 s11, $0x1;
	s11 =	simm.s32 $0x2;
	s17 =	sshrl.u32 s7, $0x3  }
.LBB2_1:
0xf: {  	[tilespmem:s4], [sflag:$0x2] =	stream.linear.gather [hbm4b:s5+s4], $0x1388, $0x38;
	[tilespmem:$0x16498] =	vst v63  }
0x10: {  	_ =	swait.ge [sflag:s11], $0x1388  }
0x11: {  	[sflag:s11] =	ssyncset.done $0x0  }
0x12: {  	[sflag:s11] =	ssyncadd.s32 $0xFFFFEC78  }
0x13: {  	[tilespmem:s12], [sflag:$0x1] =	stream.indirect.gather [hbm4b:s2+s12], $0x10, s4, s12, $0xb8;
	[tilespmem:$0x16498] =	vst v63  }
0x14: {  	_ =	swait.ge [sflag:s13], $0x13880  }
0x15: {  	[sflag:s13] =	ssyncset.done $0x0  }
0x16: {  	[sflag:s13] =	ssyncadd.s32 $0xFFFEC780  }
0x17: {  	[hbm4b:s6+s4] =	stream.linear.scatter [tilespmem:s12], [sflag:$0x2], $0x13880, $0x38;
	[tilespmem:$0x16498] =	vst v63  }
0x18: {  	_ =	swait.ge [sflag:s11], $0x13880  }
0x19: {  	[sflag:s11] =	ssyncset.done $0x0  }
0x1a: {  	[sflag:s11] =	ssyncadd.s32 $0xFFFEC780  }
0x1b: {  	[tilespmem:$0x15F98] =	vst v0  }
0x1c: {  	[tilespmem:$0x15FA8] =	vst v0  }
0x1d: {  	[tilespmem:$0x15FB8] =	vst v0  }
0x1e: {  	[tilespmem:$0x15FC8] =	vst v0  }
0x1f: {  	[tilespmem:$0x15FD8] =	vst v0  }
0x20: {  	[tilespmem:$0x15FE8] =	vst v0  }
0x21: {  	[tilespmem:$0x15FF8] =	vst v0  }
0x22: {  	[tilespmem:$0x16008] =	vst v0  }
0x23: {  	[tilespmem:$0x16018] =	vst v0  }
0x24: {  	[tilespmem:$0x16028] =	vst v0  }
0x25: {  	[tilespmem:$0x16038] =	vst v0  }
0x26: {  	[tilespmem:$0x16048] =	vst v0  }
0x27: {  	[tilespmem:$0x16058] =	vst v0  }
0x28: {  	[tilespmem:$0x16068] =	vst v0  }
0x29: {  	[tilespmem:$0x16078] =	vst v0  }
0x2a: {  	[tilespmem:$0x16088] =	vst v0  }
0x2b: {  	[tilespmem:$0x16098] =	vst v0  }
0x2c: {  	[tilespmem:$0x160A8] =	vst v0  }
0x2d: {  	[tilespmem:$0x160B8] =	vst v0  }
0x2e: {  	[tilespmem:$0x160C8] =	vst v0  }
0x2f: {  	[tilespmem:$0x160D8] =	vst v0  }
0x30: {  	[tilespmem:$0x160E8] =	vst v0  }
0x31: {  	[tilespmem:$0x160F8] =	vst v0  }
0x32: {  	[tilespmem:$0x16108] =	vst v0  }
0x33: {  	[tilespmem:$0x16118] =	vst v0  }
0x34: {  	[tilespmem:$0x16128] =	vst v0  }
0x35: {  	[tilespmem:$0x16138] =	vst v0  }
0x36: {  	[tilespmem:$0x16148] =	vst v0  }
0x37: {  	[tilespmem:$0x16158] =	vst v0  }
0x38: {  	[tilespmem:$0x16168] =	vst v0  }
0x39: {  	[tilespmem:$0x16178] =	vst v0  }
0x3a: {  	[tilespmem:$0x16188] =	vst v0  }
0x3b: {  	[tilespmem:$0x16198] =	vst v0  }
0x3c: {  	[tilespmem:$0x161A8] =	vst v0  }
0x3d: {  	[tilespmem:$0x161B8] =	vst v0  }
0x3e: {  	[tilespmem:$0x161C8] =	vst v0  }
0x3f: {  	[tilespmem:$0x161D8] =	vst v0  }
0x40: {  	[tilespmem:$0x161E8] =	vst v0  }
0x41: {  	[tilespmem:$0x161F8] =	vst v0  }
0x42: {  	[tilespmem:$0x16208] =	vst v0  }
0x43: {  	[spmem:s7] =	stream.linear.scatter [tilespmem:s14], [sflag:$0x2], $0x280, $0x38;
	[tilespmem:$0x16498] =	vst v63  }
0x44: {  	_ =	swait.ge [sflag:s11], $0x280  }
0x45: {  	[sflag:s11] =	ssyncset.done $0x0  }
0x46: {  	s19 =	simm.s32 $0x40;
	s20 =	simm.s32 $0x0;
	[sflag:s11] =	ssyncadd.s32 $0xFFFFFD80  }
.LBB2_2:
0x47: {  	p0 =	sne.s32 s19, $0x4E00;
	[tilespmem:s20+$0x14C08] =	vst v1;
	s20 =	smov.u32 s19;
	s19 =	sadd.s32 $0x40, s19  }
.Ltmp0:
0x48: {  	(pc) =	sbr.rel @p0 .LBB2_2-.Ltmp0, $2  }
0x49: {  	_ =	sdelay $0x2  }
0x4a: {  	s20 =	sshra.s32 s20, $0x2  }
0x4b: {  	[tilespmem:s20+$0x14C08] =	vst v1  }
0x4c: {  	[bflag:$0x0] =	sbarrier.arrive $0xFFFF  }
0x4d: {  	[tilespmem:s4], [sflag:$0x2] =	stream.linear.gather [hbm4b:s8+s4], $0x1388, $0x38;
	[tilespmem:$0x16498] =	vst v63  }
0x4e: {  	_ =	swait.ge [sflag:s11], $0x1388  }
0x4f: {  	[sflag:s11] =	ssyncset.done $0x0  }
0x50: {  	[sflag:s11] =	ssyncadd.s32 $0xFFFFEC78  }
0x51: {  	[spmem:s3] =	stream.indirect.scatter.add.f32 [tilespmem:s15], [sflag:$0x2], $0x1, s4, s12, $0xb8;
	[tilespmem:$0x16498] =	vst v63  }
0x52: {  	_ =	swait.ge [sflag:s11], $0x1388  }
0x53: {  	s18 =	sadd.s32 $0x1, s18;
	[sflag:s11] =	ssyncset.done $0x0  }
0x54: {  	p0 =	sne.s32 s18, s10;
	[sflag:s11] =	ssyncadd.s32 $0xFFFFEC78  }
.Ltmp1:
0x55: {  	[bflag:$0x0] =	sbarrier.arrive $0xFFFF;
	(pc) =	sbr.rel @p0 .LBB2_1-.Ltmp1, $4  }
0x56: {  	[hbm:s9], [sflag:s16] =	dma.local [spmem:s17], $0x50  }
0x57: {  	_ =	swait.ge [sflag:s11], $0x50  }
0x58: {  	[sflag:s11] =	ssyncset.done $0x0  }
0x59: {  	[sflag:s11] =	ssyncadd.s32 $0xFFFFFFB0  }
0x5a: {  	_ =	sfence.sel $0x180000  }
0x5b: {  	[bflag:$0x0] =	sbarrier.arrive $0xFFFF  }
0x5c: {  	p0 =	sne.s32 s0, $0x0;
	_ =	strace $0x90000047  }
0x5d: {  	s0 =	sadd.s32 @!p0 $0x100000, s1;
	[bflag:$0x2] =	sbarrier.arrive $0xFFFF  }
0x5e: {  	[sflag:s0] =	ssyncadd.tile.s32 @!p0 $0x1;
	_ =	shalt  }
.Lfunc_end2:
_tile_overlayer_lowered:
.L_overlay_start_2:
0x5f: {  	(tag) =	ssettag $0x2  }
0x60: {  	s0 =	rddreg [dreg:$0x0];
	s2 =	stileid.u32  }
0x61: {  	s1 =	rddreg [dreg:$0x1];
	p0 =	sne.s32 s2, $0x0  }
0x62: {  	s3 =	rddreg [dreg:$0x2];
	[bflag:$0x3] =	sbarrier.arrive $0xFFFF;
	s2 =	simm.s32 @!p0 $0x1C02  }
0x63: {  	[timem:s3], [sflag:s2] =	dma.local @!p0 [hbm:s0], s1  }
0x64: {  	s0 =	simm.s32 @!p0 $0x2  }
0x65: {  	_ =	swait.ge @!p0 [sflag:s0], s1  }
0x66: {  	s1 =	ssub.s32 @!p0 $0x0, s1;
	[sflag:s0] =	ssyncset.done @!p0 $0x0  }
0x67: {  	[sflag:s0] =	ssyncadd.s32 @!p0 s1  }
0x68: {  	[bflag:$0x3] =	sbarrier.arrive $0xFFFF  }
0x69: {  	_ =	shalt  }

// kernel: kernel.9.cloned.1.call-start
scs
__scs_entry_jumppad:
0x0: {  	(pc) =	sbr.rel $0x88, $3  }
0x1: {  	(tag) =	ssettag $0x0;
	lr =	simm.s32 $0x1  }
0x2: {  	[smem:$0x3F96] =	sst lr;
	_ =	strace $0xD0000000  }
0x3: {  	_ = 	snop  }
0x4: {  	_ = 	snop  }
0x5: {  	_ = 	snop  }
0x6: {  	_ = 	snop  }
0x7: {  	_ = 	snop  }
__scs_overlays_trampoline_lowered:
0x8: {  	[smem:$0x3FA5] =	sst s0  }
0x9: {  	[smem:$0x3FA6] =	sst s1  }
0xa: {  	[smem:$0x3FA7] =	sst s2  }
0xb: {  	[smem:$0x3FA8] =	sst s3  }
0xc: {  	[smem:$0x3FA9] =	sst s4  }
0xd: {  	[smem:$0x3FAA] =	sst s5  }
0xe: {  	[smem:$0x3FAB] =	sst s6  }
0xf: {  	[smem:$0x3FAC] =	sst s7  }
0x10: {  	[smem:$0x3FAD] =	sst s8  }
0x11: {  	[smem:$0x3FAE] =	sst s9;
	s0 =	simm.s32 @!p0 $0x0  }
0x12: {  	s1 =	sld [smem:$0x3F94];
	s0 =	simm.s32 @p0 $0x1  }
0x13: {  	[smem:$0x3FAF] =	sst s0;
	s0 =	simm.s32 @!p1 $0x0  }
0x14: {  	s2 =	sld [smem:$0x3F93];
	s0 =	simm.s32 @p1 $0x1  }
0x15: {  	[smem:$0x3FB0] =	sst s0;
	s0 =	simm.s32 @!p2 $0x0  }
0x16: {  	s3 =	sld [smem:$0x3FDB];
	s0 =	simm.s32 @p2 $0x1  }
0x17: {  	s4 =	simm.s32 $0x1BF5;
	[smem:$0x3FB2] =	sst s0  }
0x18: {  	s0 =	sld [smem:$0x3F95];
	_ =	swait.ge [sflag:s4], $0x0  }
0x19: {  	s7 =	sld [smem:$0x3F96]  }
0x1a: {  	s8 =	sadd.s32 $0xFFFFE003, lr  }
0x1b: {  	s9 =	sadd.s32 $0xFFFFFEF7, lr;
	s5 =	simm.s32 $0xFFFFFFFF;
	p2 =	slt.u32 s8, $0xFFFFF086  }
0x1c: {  	p1 =	slt.u32 s9, $0xF7A;
	s5 =	simm.s32 @!p2 $0x0  }
0x1d: {  	s5 =	simm.s32 @p1 $0x1;
	p0 =	seq.s32 s7, s2  }
0x1e: {  	s7 =	smul.u32 @!p0 $0xF7A, s2;
	p2 =	seq.s32 @!p0 s5, $0x0  }
0x1f: {  	s9 =	smul.u32 $0xF7A, s1;
	s8 =	simm.s32 @!p0 $0x1BF5;
	p2 =	por !p2, p0  }
0x20: {  	[sflag:s8] =	ssyncset.s32 @!p0 $0xFFFFF086;
	s6 =	sadd.s32 @!p0 s3, s7;
	s7 =	simm.s32 @!p0 $0x108  }
0x21: {  	s3 =	sadd.s32 s3, s9;
	s6 =	sadd.s32 @!p0 $0x88, s6;
	s7 =	simm.s32 @p2 $0x1082  }
0x22: {  	[simem:s7], [sflag:s8] =	dma.local @!p0 [hbm:s6], $0xF7A  }
0x23: {  	s9 =	sor.u32 $0xD0000000, s2;
	s6 =	simm.s32 $0x108;
	_ =	swait.ge @!p0 [sflag:s8], $0x0  }
0x24: {  	s3 =	sadd.s32 $0x88, s3;
	s6 =	simm.s32 @!p1 $0x1082;
	[sflag:s4] =	ssyncset.s32 $0xFFFFF086  }
0x25: {  	[simem:s6], [sflag:s4] =	dma.local [hbm:s3], $0xF7A  }
0x26: {  	[smem:$0x3F96] =	sst s1;
	(tag) =	ssettag s2;
	_ =	strace s9  }
0x27: {  	s1 =	sld [smem:$0x3FA6]  }
0x28: {  	s2 =	sld [smem:$0x3FA7]  }
0x29: {  	s4 =	sld [smem:$0x3FA9]  }
0x2a: {  	p0 =	seq.s32 s5, $0x0;
	s5 =	sld [smem:$0x3FAA]  }
0x2b: {  	s6 =	sld [smem:$0x3FAB]  }
0x2c: {  	s7 =	sld [smem:$0x3FAC]  }
0x2d: {  	s3 =	simm.s32 $0x108;
	s8 =	sld [smem:$0x3FAD]  }
0x2e: {  	s3 =	simm.s32 @!p0 $0x1082;
	s9 =	sld [smem:$0x3FAE]  }
0x2f: {  	lr =	sadd.s32 s0, s3;
	s0 =	sld [smem:$0x3FA5]  }
0x30: {  	s3 =	sld [smem:$0x3FA8]  }
0x31: {  	[smem:$0x3FB1] =	sst s10  }
0x32: {  	s10 =	sld [smem:$0x3FAF];
	_ =	sdelay $0x3  }
0x33: {  	p0 =	seq.s32 s10, $0x1;
	s10 =	sld [smem:$0x3FB1];
	_ =	sdelay $0x3  }
0x34: {  	[smem:$0x3FB1] =	sst s10  }
0x35: {  	s10 =	sld [smem:$0x3FB0];
	_ =	sdelay $0x3  }
0x36: {  	p1 =	seq.s32 s10, $0x1;
	s10 =	sld [smem:$0x3FB1];
	_ =	sdelay $0x3  }
0x37: {  	[smem:$0x3FB1] =	sst s10  }
0x38: {  	s10 =	sld [smem:$0x3FB2]  }
0x39: {  	_ = 	snop;
	(pc) =	sbr.ind lr, $3  }
0x3a: {  	_ = 	snop  }
0x3b: {  	_ = 	snop  }
0x3c: {  	p2 =	seq.s32 s10, $0x1;
	s10 =	sld [smem:$0x3FB1]  }
0x3d: {  	_ =	shalt  }
0x3e: {  	_ =	shalt  }
0x3f: {  	_ =	shalt  }
0x40: {  	_ =	shalt  }
0x41: {  	_ =	shalt  }
0x42: {  	_ =	shalt  }
0x43: {  	_ =	shalt  }
0x44: {  	_ =	shalt  }
0x45: {  	_ =	shalt  }
0x46: {  	_ =	shalt  }
0x47: {  	_ =	shalt  }
0x48: {  	_ =	shalt  }
0x49: {  	_ =	shalt  }
0x4a: {  	_ =	shalt  }
0x4b: {  	_ =	shalt  }
0x4c: {  	_ =	shalt  }
0x4d: {  	_ =	shalt  }
0x4e: {  	_ =	shalt  }
0x4f: {  	_ =	shalt  }
0x50: {  	_ =	shalt  }
0x51: {  	_ =	shalt  }
0x52: {  	_ =	shalt  }
0x53: {  	_ =	shalt  }
0x54: {  	_ =	shalt  }
0x55: {  	_ =	shalt  }
0x56: {  	_ =	shalt  }
0x57: {  	_ =	shalt  }
0x58: {  	_ =	shalt  }
0x59: {  	_ =	shalt  }
0x5a: {  	_ =	shalt  }
0x5b: {  	_ =	shalt  }
0x5c: {  	_ =	shalt  }
0x5d: {  	_ =	shalt  }
0x5e: {  	_ =	shalt  }
0x5f: {  	_ =	shalt  }
0x60: {  	_ =	shalt  }
0x61: {  	_ =	shalt  }
0x62: {  	_ =	shalt  }
0x63: {  	_ =	shalt  }
0x64: {  	_ =	shalt  }
0x65: {  	_ =	shalt  }
0x66: {  	_ =	shalt  }
0x67: {  	_ =	shalt  }
0x68: {  	_ =	shalt  }
0x69: {  	_ =	shalt  }
0x6a: {  	_ =	shalt  }
0x6b: {  	_ =	shalt  }
0x6c: {  	_ =	shalt  }
0x6d: {  	_ =	shalt  }
0x6e: {  	_ =	shalt  }
0x6f: {  	_ =	shalt  }
0x70: {  	_ =	shalt  }
0x71: {  	_ =	shalt  }
0x72: {  	_ =	shalt  }
0x73: {  	_ =	shalt  }
0x74: {  	_ =	shalt  }
0x75: {  	_ =	shalt  }
0x76: {  	_ =	shalt  }
0x77: {  	_ =	shalt  }
0x78: {  	_ =	shalt  }
0x79: {  	_ =	shalt  }
0x7a: {  	_ =	shalt  }
0x7b: {  	_ =	shalt  }
0x7c: {  	_ =	shalt  }
0x7d: {  	_ =	shalt  }
0x7e: {  	_ =	shalt  }
0x7f: {  	_ =	shalt  }
0x80: {  	_ =	shalt  }
0x81: {  	_ =	shalt  }
0x82: {  	_ =	shalt  }
0x83: {  	_ =	shalt  }
0x84: {  	_ =	shalt  }
0x85: {  	_ =	shalt  }
0x86: {  	_ =	shalt  }
0x87: {  	_ =	shalt  }
.Lfunc_end0:
.L_simem_size_0:
called_computation.1_lowered:
.L_overlay_start_0:
0x88: {  	s2 =	sld [smem:$0x3FD9]  }
0x89: {  	s3 =	sld [smem:$0x3FFE];
	_ =	sdelay $0x1  }
0x8a: {  	s1 =	srdreg.scid  }
0x8b: {  	s0 =	sand.u32 $0x1, s1  }
0x8c: {  	s16 =	sshll.u32 s0, $0xA;
	s2 =	sadd.s32 s3, s2  }
0x8d: {  	s2 =	sadd.s32 s2, s16  }
0x8e: {  	[smem:$0x3FBD] =	sst s2  }
0x8f: {  	_ = 	snop  }
0x90: {  	(tm) =	ssettm $0x1  }
0x91: {  	s17 =	sld [smem:$0x3FFB];
	_ =	sdelay $0x3  }
0x92: {  	_ =	strace s17  }
0x93: {  	s2 =	sld [smem:$0x3FFC];
	_ =	sdelay $0x3  }
0x94: {  	_ =	strace s2  }
0x95: {  	s2 =	sld [smem:$0x3FFD];
	_ =	sdelay $0x3  }
0x96: {  	_ =	strace s2  }
0x97: {  	_ =	strace $0x8FFFFFFF  }
0x98: {  	s18 =	sld [smem:$0x3FDB];
	_ =	sdelay $0x1  }
0x99: {  	s19 =	simm.s32 $_scs_section_size  }
0x9a: {  	s4 =	simm.s32 $_size__tile_overlayer_lowered;
	s5 =	simm.s32 $_tile_overlayer_lowered  }
0x9b: {  	s22 =	simm.s32 $0x1BFF;
	s21 =	sshll.u32 s5, $0x1;
	s2 =	sadd.s32 s19, s18  }
0x9c: {  	s6 =	simm.s32 $0x0;
	s20 =	sshll.u32 s4, $0x1;
	s4 =	sadd.s32 s21, s2  }
0x9d: {  	[timem:s6], [sflag:s22] =	dma.local [hbm:s4], s20  }
0x9e: {  	_ =	swait.ge [sflag:s22], s20  }
0x9f: {  	s3 =	ssub.s32 $0x0, s20;
	[sflag:s22] =	ssyncset.done $0x0  }
0xa0: {  	[sflag:s22] =	ssyncadd.s32 s3;
	_ =	sdelay $0x1  }
0xa1: {  	s23 =	simm.s32 $0x1B8B  }
0xa2: {  	_ =	swait.ge [sflag:s23], $0x1  }
0xa3: {  	[sflag:s23] =	ssyncset.done $0x0  }
0xa4: {  	s25 =	simm.s32 $0x1B8E;
	s24 =	sld [smem:$0x3FFE];
	[sflag:s23] =	ssyncadd.s32 $0xFFFFFFFF  }
0xa5: {  	s26 =	simm.s32 $execute0_lowered;
	[smem:$0x3FD2] =	sst s25  }
0xa6: {  	s4 =	sshll.u32 s26, $0x1;
	_ =	strace $0x80000049;
	[dreg:$0x1] =	wrdreg $0xFFFFFFFF  }
0xa7: {  	s28 =	simm.s32 $_size_execute0_lowered;
	s2 =	sadd.s32 s2, s4;
	[dreg:$0x0] =	wrdreg $0x0  }
0xa8: {  	s4 =	sshll.u32 s28, $0x1;
	[dreg:$0x2] =	wrdreg s2  }
0xa9: {  	[dreg:$0x3] =	wrdreg s4  }
0xaa: {  	[dreg:$0x4] =	wrdreg $0xC0  }
0xab: {  	_ =	task [dreg:s6], $0x5FFFF  }
0xac: {  	[dreg:$0x1] =	wrdreg $0xFFFFFFFF  }
0xad: {  	[dreg:$0x0] =	wrdreg $0x60  }
0xae: {  	[dreg:$0x2] =	wrdreg s24  }
0xaf: {  	[dreg:$0x3] =	wrdreg $0x173180  }
0xb0: {  	[dreg:$0x4] =	wrdreg $0x9  }
0xb1: {  	_ =	task.clear_ibuf [dreg:s6], $0x5FFFF;
	_ =	strace $0x90000049  }
0xb2: {  	s29 =	simm.s32 $0x9;
	_ =	strace $0x8000004B  }
0xb3: {  	_ =	swait.ge [sflag:s29], $0x1  }
0xb4: {  	[sflag:s29] =	ssyncadd.s32 $0xFFFFFFFF  }
0xb5: {  	_ =	strace $0x9000004B  }
0xb6: {  	_ =	sfence  }
0xb7: {  	s30 =	sld [smem:$0x0];
	_ =	sdelay $0x2  }
0xb8: {  	s31 =	sshll.u32 s1, $0xD;
	s1 =	sshrl.u32 s1, $0x2  }
0xb9: {  	s3 =	sand.u32 $0x4000, s31;
	s1 =	sadd.s32 s1, s30  }
0xba: {  	s0 =	sor.u32 s3, s0;
	s1 =	sshll.u32 s1, $0x11  }
0xbb: {  	s0 =	sor.u32 s1, s0  }
0xbc: {  	s0 =	sadd.s32 $0x8F2B, s0  }
0xbd: {  	[sflag:s0] =	ssyncadd.remote.s32 $0x1  }
0xbe: {  	_ =	sfence.sel $0xFFFF  }
0xbf: {  	[dreg:$0x0] =	wrdreg $0xFFFFFFFF;
	(pc) =	sbr.abs _section_cstart, $3  }
0xc0: {  	[dreg:$0x1] =	wrdreg $0xFFFFFFFF  }
0xc1: {  	_ =	task.clear_ibuf [dreg:s6], $0x2FFFF;
	_ =	strace $0x9FFFFFFF  }
0xc2: {  	(tm) =	ssettm $0x7FFFFFFF  }
0xc3: {  	_ =	shalt  }
tec
execute0_lowered:
.L_overlay_start_1:
0x0: {  	(tag) =	ssettag $0x1  }
0x1: {  	s1 =	srdreg.scid;
	s5 =	rddreg [dreg:$0x0]  }
0x2: {  	s0 =	stileid.u32;
	s2 =	rddreg [dreg:$0x1];
	s3 =	simm.s32 $0x0  }
0x3: {  	s11 =	simm.s32 $0x1388;
	s14 =	simm.s32 $0x0;
	s4 =	sand.u32 $0x1, s1  }
0x4: {  	s29 =	sshll.u32 s0, $0x1;
	s1 =	rddreg [dreg:$0x2];
	s9 =	smul.u32 $0x2710, s0  }
0x5: {  	[smem:$0x7FF] =	sst s3;
	s30 =	smul.u32 $0x9C40, s0;
	s12 =	sshll.u32 s0, $0x6  }
0x6: {  	s6 =	sor.u32 s4, s29;
	s8 =	smul.u32 $0x27100, s4;
	_ =	strace $0x8000004A  }
0x7: {  	s4 =	ssub.s32 $0x2, s4;
	s12 =	sor.u32 $0x1C01, s12;
	s7 =	smul.u32 $0x2710, s6  }
0x8: {  	s6 =	smul.u32 $0x1388, s6;
	s10 =	sshrl.u32 s4, $0x1;
	s31 =	sshrl.u32 s30, $0x2  }
0x9: {  	s8 =	sadd.s32 s9, s8;
	s10 =	ssub.s32 s4, s10;
	s4 =	sadd.s32 s31, s2  }
0xa: {  	s9 =	simm.s32 $0x14C08;
	s8 =	sshrl.u32 s8, $0x3;
	s6 =	sshrl.u32 s6, $0x3  }
0xb: {  	s7 =	sadd.s32 s7, s5;
	s8 =	sadd.s32 s8, s5;
	s5 =	sadd.s32 s5, s6  }
0xc: {  	s13 =	sshrl.u32 s4, $0x3;
	s6 =	sadd.s32 $0xD600, s7;
	s5 =	sadd.s32 $0x8620, s5  }
0xd: {  	v0 =	vimm.f32 $0.0e+00;
	s7 =	sadd.s32 $0x5C200, s8;
	s8 =	smax.u32 s10, $0x1;
	s10 =	simm.s32 $0x1  }
.LBB2_1:
0xe: {  	s15 =	simm.s32 $0x40;
	s16 =	simm.s32 $0x0  }
.LBB2_2:
0xf: {  	p0 =	sne.s32 s15, $0x9C00;
	[tilespmem:s16+$0x14C08] =	vst v0;
	s16 =	smov.u32 s15;
	s15 =	sadd.s32 $0x40, s15  }
.Ltmp0:
0x10: {  	(pc) =	sbr.rel @p0 .LBB2_2-.Ltmp0, $2  }
0x11: {  	_ =	sdelay $0x2  }
0x12: {  	s16 =	sshra.s32 s16, $0x2  }
0x13: {  	[tilespmem:s16+$0x14C08] =	vst v0  }
0x14: {  	[spmem:s4] =	stream.linear.scatter [tilespmem:s9], [sflag:$0x1], $0x2710, $0x38;
	[tilespmem:$0x19A28] =	vst v63  }
0x15: {  	_ =	swait.ge [sflag:s10], $0x2710  }
0x16: {  	[sflag:s10] =	ssyncset.done $0x0  }
0x17: {  	[sflag:s10] =	ssyncadd.s32 $0xFFFFD8F0  }
0x18: {  	[bflag:$0x0] =	sbarrier.arrive $0xFFFF  }
0x19: {  	[tilespmem:s3], [sflag:$0x1] =	stream.linear.gather [hbm4b:s5+s3], $0x1388, $0x38;
	[tilespmem:$0x19A28] =	vst v63  }
0x1a: {  	_ =	swait.ge [sflag:s10], $0x1388  }
0x1b: {  	[sflag:s10] =	ssyncset.done $0x0  }
0x1c: {  	[sflag:s10] =	ssyncadd.s32 $0xFFFFEC78  }
0x1d: {  	[tilespmem:s11], [sflag:$0x1] =	stream.linear.gather [hbm4b:s6+s3], $0x13880, $0x38;
	[tilespmem:$0x19A28] =	vst v63  }
0x1e: {  	_ =	swait.ge [sflag:s10], $0x13880  }
0x1f: {  	[sflag:s10] =	ssyncset.done $0x0  }
0x20: {  	[sflag:s10] =	ssyncadd.s32 $0xFFFEC780  }
0x21: {  	[spmem:s2] =	stream.indirect.scatter.add.f32 [tilespmem:s11], [sflag:$0x1], $0x10, s3, s11, $0xb8;
	[tilespmem:$0x19A28] =	vst v63  }
0x22: {  	_ =	swait.ge [sflag:s10], $0x13880  }
0x23: {  	s14 =	sadd.s32 $0x1, s14;
	[sflag:s10] =	ssyncset.done $0x0  }
0x24: {  	p0 =	sne.s32 s14, s8;
	[sflag:s10] =	ssyncadd.s32 $0xFFFEC780  }
.Ltmp1:
0x25: {  	[bflag:$0x0] =	sbarrier.arrive $0xFFFF;
	(pc) =	sbr.rel @p0 .LBB2_1-.Ltmp1, $4  }
0x26: {  	[hbm:s7], [sflag:s12] =	dma.local [spmem:s13], $0x4E2  }
0x27: {  	_ =	swait.ge [sflag:s10], $0x4E2  }
0x28: {  	[sflag:s10] =	ssyncset.done $0x0  }
0x29: {  	[sflag:s10] =	ssyncadd.s32 $0xFFFFFB1E  }
0x2a: {  	_ =	sfence.sel $0x180000  }
0x2b: {  	[bflag:$0x0] =	sbarrier.arrive $0xFFFF  }
0x2c: {  	p0 =	sne.s32 s0, $0x0;
	_ =	strace $0x9000004A  }
0x2d: {  	s0 =	sadd.s32 @!p0 $0x100000, s1;
	[bflag:$0x2] =	sbarrier.arrive $0xFFFF  }
0x2e: {  	[sflag:s0] =	ssyncadd.tile.s32 @!p0 $0x1;
	_ =	shalt  }
.Lfunc_end2:
_tile_overlayer_lowered:
.L_overlay_start_2:
0x2f: {  	(tag) =	ssettag $0x2  }
0x30: {  	s0 =	rddreg [dreg:$0x0];
	s2 =	stileid.u32  }
0x31: {  	s1 =	rddreg [dreg:$0x1];
	p0 =	sne.s32 s2, $0x0  }
0x32: {  	s3 =	rddreg [dreg:$0x2];
	[bflag:$0x3] =	sbarrier.arrive $0xFFFF;
	s2 =	simm.s32 @!p0 $0x1C01  }
0x33: {  	[timem:s3], [sflag:s2] =	dma.local @!p0 [hbm:s0], s1  }
0x34: {  	s0 =	simm.s32 @!p0 $0x1  }
0x35: {  	_ =	swait.ge @!p0 [sflag:s0], s1  }
0x36: {  	s1 =	ssub.s32 @!p0 $0x0, s1;
	[sflag:s0] =	ssyncset.done @!p0 $0x0  }
0x37: {  	[sflag:s0] =	ssyncadd.s32 @!p0 s1  }
0x38: {  	[bflag:$0x3] =	sbarrier.arrive $0xFFFF  }
0x39: {  	_ =	shalt  }

</sc_bundles>
